<compile_context>
chip_gen: v7x
topology: tpu7x:2x2x1
jax: 0.10.2.dev20260603
libtpu: 0.0.44.dev20260713+nightly
codegen_flags: <defaults>
</compile_context>

<pallas_src>
import functools

import jax
import jax.numpy as jnp
from jax import lax
from jax.experimental import pallas as pl
from jax.experimental.pallas import tpu as pltpu
from jax.experimental.pallas import tpu_sc as plsc

N = 10000
NFEAT = 128
NHID = 64
NCLASS = 32
K = 10
ALPHA = 0.1

NC = 2
NS = 16
CH = NCLASS // NC
NPAD = 10112
RPT = NPAD // NS
CHUNK = 512
E = 320000
NSLAB = 40
NRING = 39
EPT = NSLAB * CHUNK
E_PAD = EPT * NS


def _mlp_body(x_ref, w1_ref, b1_ref, w2_ref, b2_ref, o_ref):
    h = jnp.dot(x_ref[...], w1_ref[...], preferred_element_type=jnp.float32)
    h = jnp.maximum(h + b1_ref[...], 0.0)
    z = jnp.zeros((NPAD - N, CH), jnp.float32)
    for c in range(NC):
        o = jnp.dot(h, w2_ref[:, c * CH:(c + 1) * CH],
                    preferred_element_type=jnp.float32)
        o_ref[pl.ds(c * NPAD, N)] = o + b2_ref[:, c * CH:(c + 1) * CH]
        o_ref[pl.ds(c * NPAD + N, NPAD - N)] = z


def _mlp(x, W1, b1, W2, b2):
    return pl.pallas_call(
        _mlp_body,
        out_shape=jax.ShapeDtypeStruct((NC * NPAD, CH), jnp.float32),
    )(x, W1, b1.reshape(1, NHID), W2, b2.reshape(1, NCLASS))


def _prop_body(src_hbm, dst_hbm, ones_hbm, zeros_hbm, h_hbm, out_hbm,
               z_sh, agg_sh, src_v, dst_v, rowbuf, wsl, hz, swide,
               sqd, zbuf, semg0, semg1, semg2, sems0, sems1, sems2):
    semg = (semg0, semg1, semg2)
    sems = (sems0, sems1, sems2)
    rb = tuple(rowbuf.at[pl.ds(b * CHUNK, CHUNK)] for b in range(3))

    def zero_agg_slice(base):
        for t in range(4):
            pltpu.sync_copy(zbuf, agg_sh.at[pl.ds(base + t * (RPT // 4),
                                                  RPT // 4)])
    c = lax.axis_index("c")
    s = lax.axis_index("s")
    base = s * RPT
    hoff = c * NPAD + base

    pltpu.sync_copy(src_hbm.at[s], src_v)
    pltpu.sync_copy(dst_hbm.at[s], dst_v)
    pltpu.sync_copy(ones_hbm, rb[0])
    pltpu.sync_copy(zeros_hbm, zbuf)
    pltpu.sync_copy(h_hbm.at[pl.ds(hoff, RPT)], hz)
    zero_agg_slice(base)
    plsc.subcore_barrier()

    @pl.loop(0, NRING, step=3)
    def _deg(g):
        for u in range(3):
            j = g + u

            @pl.when(g >= 3)
            def _():
                pltpu.make_async_copy(rb[0], agg_sh.at[dst_v.at[j - 3]],
                                      sems[u]).wait()

            pltpu.async_copy(rb[0], agg_sh.at[dst_v.at[j]], sems[u],
                             add=True)

    for u in range(3):
        pltpu.make_async_copy(rb[0], agg_sh.at[dst_v.at[NRING - 3 + u]],
                              sems[u]).wait()
    pltpu.sync_copy(rb[0], agg_sh.at[dst_v.at[NSLAB - 1]], add=True)
    plsc.subcore_barrier()

    pltpu.sync_copy(agg_sh.at[pl.ds(base, RPT)], rowbuf.at[pl.ds(0, RPT)])

    @pl.loop(0, RPT)
    def _init(i):
        d = rowbuf[i] + 1.0
        ih = lax.bitcast_convert_type(d, jnp.int32)
        y = lax.bitcast_convert_type(0x5F3759DF - (ih >> 1), jnp.float32)
        y = y * (1.5 - 0.5 * d * y * y)
        y = y * (1.5 - 0.5 * d * y * y)
        y = y * (1.5 - 0.5 * d * y * y)
        swide[i] = (1.0 - ALPHA) * y * y
        sqd[i] = d * y
        h0 = hz[i]
        hz[i] = ALPHA * y * h0
        wsl[i] = y * h0

    zero_agg_slice(base)
    pltpu.sync_copy(wsl, z_sh.at[pl.ds(base, RPT)])
    plsc.subcore_barrier()

    @pl.loop(0, K)
    def _hop(k):
        pltpu.async_copy(z_sh.at[src_v.at[0]], rb[0], semg[0])
        pltpu.async_copy(z_sh.at[src_v.at[1]], rb[1], semg[1])

        @pl.loop(0, NRING, step=3)
        def _edges(g):
            for u in range(3):
                j = g + u
                b = u
                bn = (u + 2) % 3
                pltpu.make_async_copy(z_sh.at[src_v.at[j]], rb[b],
                                      semg[b]).wait()
                pltpu.async_copy(rb[b], agg_sh.at[dst_v.at[j]], sems[b],
                                 add=True)
                if u == 0:
                    @pl.when(g > 0)
                    def _():
                        pltpu.make_async_copy(
                            rb[bn], agg_sh.at[dst_v.at[j - 1]],
                            sems[bn]).wait()

                    pltpu.async_copy(z_sh.at[src_v.at[j + 2]], rb[bn],
                                     semg[bn])
                else:
                    @pl.when(j + 2 < NRING + 1)
                    def _():
                        pltpu.make_async_copy(
                            rb[bn], agg_sh.at[dst_v.at[j - 1]],
                            sems[bn]).wait()
                        pltpu.async_copy(z_sh.at[src_v.at[j + 2]], rb[bn],
                                         semg[bn])

        for j in (NRING - 2, NRING - 1):
            pltpu.make_async_copy(rb[j % 3], agg_sh.at[dst_v.at[j]],
                                  sems[j % 3]).wait()
        pltpu.make_async_copy(z_sh.at[src_v.at[NSLAB - 1]], rb[0],
                              semg[0]).wait()
        pltpu.sync_copy(rb[0], agg_sh.at[dst_v.at[NSLAB - 1]], add=True)

        plsc.subcore_barrier()
        pltpu.sync_copy(agg_sh.at[pl.ds(base, RPT)], rowbuf.at[pl.ds(0, RPT)])
        zero_agg_slice(base)

        @pl.loop(0, RPT)
        def _comb(i):
            wsl[i] = swide[i] * (rowbuf[i] + wsl[i]) + hz[i]

        pltpu.sync_copy(wsl, z_sh.at[pl.ds(base, RPT)])
        plsc.subcore_barrier()

    @pl.loop(0, RPT)
    def _fin(i):
        wsl[i] = sqd[i] * wsl[i]

    col = c * CH
    @pl.when(s < NS - 1)
    def _():
        pltpu.sync_copy(wsl, out_hbm.at[pl.ds(base, RPT), pl.ds(col, CH)])

    @pl.when(s == NS - 1)
    def _():
        pltpu.sync_copy(wsl.at[pl.ds(0, N - (NS - 1) * RPT)],
                        out_hbm.at[pl.ds(base, N - (NS - 1) * RPT),
                                   pl.ds(col, CH)])


_prop = functools.partial(
    pl.kernel,
    _prop_body,
    out_type=jax.ShapeDtypeStruct((N, NCLASS), jnp.float32),
    mesh=plsc.VectorSubcoreMesh(
        core_axis_name="c", subcore_axis_name="s", num_cores=NC,
        num_subcores=NS),
    compiler_params=pltpu.CompilerParams(use_tc_tiling_on_sc=False),
    scratch_types=[
        pltpu.VMEM_SHARED((NPAD, CH), jnp.float32),
        pltpu.VMEM_SHARED((NPAD, CH), jnp.float32),
        pltpu.VMEM((NSLAB, CHUNK), jnp.int32),
        pltpu.VMEM((NSLAB, CHUNK), jnp.int32),
        pltpu.VMEM((3 * CHUNK, CH), jnp.float32),
        pltpu.VMEM((RPT, CH), jnp.float32),
        pltpu.VMEM((RPT, CH), jnp.float32),
        pltpu.VMEM((RPT, CH), jnp.float32),
        pltpu.VMEM((RPT, CH), jnp.float32),
        pltpu.VMEM((RPT // 4, CH), jnp.float32),
        pltpu.SemaphoreType.DMA,
        pltpu.SemaphoreType.DMA,
        pltpu.SemaphoreType.DMA,
        pltpu.SemaphoreType.DMA,
        pltpu.SemaphoreType.DMA,
        pltpu.SemaphoreType.DMA,
    ],
)()


def kernel(x, edge_index, W1, b1, W2, b2):
    h2 = _mlp(x, W1, b1, W2, b2)

    pad = N + jnp.arange(E_PAD - E, dtype=jnp.int32) % (NPAD - N)
    src = jnp.concatenate([edge_index[0], pad])
    dst = jnp.concatenate([edge_index[1], pad])
    src3 = src.reshape(NS, NSLAB, CHUNK)
    dst3 = dst.reshape(NS, NSLAB, CHUNK)

    ones_rows = jnp.ones((CHUNK, CH), jnp.float32)
    zero_rows = jnp.zeros((RPT // 4, CH), jnp.float32)

    return _prop(src3, dst3, ones_rows, zero_rows, h2)

# --- scband reference (transcript-rebuilt; emitter-appended) ---
"""Pipeline reference for scband-appnp-59846074302983 (READ-ONLY COPY).

The authoritative reference and input builder live on the scoring server;
editing this copy changes nothing except your own understanding.
"""

import jax, jax.numpy as jnp
import numpy as np

N = 10000
E = 320000
NFEAT = 128
NHID = 64
NCLASS = 32
K = 10
ALPHA = 0.1


def setup_inputs(seed: int = 0) -> dict:
    key = jax.random.key(seed)
    k1, k2, k3, k4, k5, k6 = jax.random.split(key, 6)
    x = jax.random.normal(k1, (N, NFEAT), dtype=jnp.float32)
    edge_index = jax.random.randint(k2, (2, E), 0, N, dtype=jnp.int32)
    W1 = jax.random.normal(k3, (NFEAT, NHID), dtype=jnp.float32) * 0.05
    b1 = jnp.zeros((NHID,), dtype=jnp.float32)
    W2 = jax.random.normal(k4, (NHID, NCLASS), dtype=jnp.float32) * 0.05
    b2 = jnp.zeros((NCLASS,), dtype=jnp.float32)
    return {"x": x, "edge_index": edge_index, "W1": W1, "b1": b1, "W2": W2, "b2": b2}


def _appnp_propagate(x, edge_index):
    # APPNP propagation with GCN normalization (self-loops + symmetric norm)
    src = edge_index[0]
    dst = edge_index[1]
    loop = jnp.arange(N, dtype=src.dtype)
    src = jnp.concatenate([src, loop], axis=0)
    dst = jnp.concatenate([dst, loop], axis=0)
    ones = jnp.ones((src.shape[0],), dtype=x.dtype)
    deg = jax.ops.segment_sum(ones, dst, num_segments=N)
    deg_inv_sqrt = jnp.where(deg > 0, jax.lax.rsqrt(jnp.maximum(deg, 1e-12)), 0.0)
    norm = deg_inv_sqrt[src] * deg_inv_sqrt[dst]
    h0 = x
    for _ in range(K):
        msg = x[src] * norm[:, None]
        agg = jax.ops.segment_sum(msg, dst, num_segments=N)
        x = (1.0 - ALPHA) * agg + ALPHA * h0
    return x


def reference(x, edge_index, W1, b1, W2, b2):
    # dropout is identity in eval mode
    h = jax.nn.relu(x @ W1 + b1)
    h = h @ W2 + b2
    out = _appnp_propagate(h, edge_index)
    return out

if __name__ == "__main__":
    import jax
    _d = setup_inputs()
    print(jax.jit(kernel)(*tuple(_d.values())))

</pallas_src>

<mosaic_0001>
#map = affine_map<(d0, d1) -> (0, 0, 0)>
#map1 = affine_map<(d0, d1) -> (0, 0)>
module attributes {stable_mosaic.version = 14 : i64} {
  func.func @_prop_body(%arg0: i32, %arg1: i32, %arg2: memref<16x40x512xi32, #tpu.memory_space<hbm>>, %arg3: memref<16x40x512xi32, #tpu.memory_space<hbm>>, %arg4: memref<512x16xf32, #tpu.memory_space<hbm>>, %arg5: memref<158x16xf32, #tpu.memory_space<hbm>>, %arg6: memref<20224x16xf32, #tpu.memory_space<hbm>>, %arg7: memref<10000x32xf32, #tpu.memory_space<hbm>>, %arg8: memref<10112x16xf32, #tpu.memory_space<vmem_shared>>, %arg9: memref<10112x16xf32, #tpu.memory_space<vmem_shared>>, %arg10: memref<40x512xi32, #tpu.memory_space<vmem>>, %arg11: memref<40x512xi32, #tpu.memory_space<vmem>>, %arg12: memref<1536x16xf32, #tpu.memory_space<vmem>>, %arg13: memref<632x16xf32, #tpu.memory_space<vmem>>, %arg14: memref<632x16xf32, #tpu.memory_space<vmem>>, %arg15: memref<632x16xf32, #tpu.memory_space<vmem>>, %arg16: memref<632x16xf32, #tpu.memory_space<vmem>>, %arg17: memref<158x16xf32, #tpu.memory_space<vmem>>, %arg18: memref<!tpu.dma_semaphore, #tpu.memory_space<semaphore_mem>>, %arg19: memref<!tpu.dma_semaphore, #tpu.memory_space<semaphore_mem>>, %arg20: memref<!tpu.dma_semaphore, #tpu.memory_space<semaphore_mem>>, %arg21: memref<!tpu.dma_semaphore, #tpu.memory_space<semaphore_mem>>, %arg22: memref<!tpu.dma_semaphore, #tpu.memory_space<semaphore_mem>>, %arg23: memref<!tpu.dma_semaphore, #tpu.memory_space<semaphore_mem>>) attributes {dimension_semantics = [#tpu.dimension_semantics<core_parallel>, #tpu.dimension_semantics<subcore_parallel>], iteration_bounds = array<i64: 2, 16>, scalar_prefetch = 0 : i64, scratch_operands = 16 : i64, tpu.core_type = #tpu.core_type<sc_vector_subcore>, window_params = [{transform_indices = #map}, {transform_indices = #map}, {transform_indices = #map1}, {transform_indices = #map1}, {transform_indices = #map1}, {transform_indices = #map1}]} {
    %mul3A = arith.constant 632 : i32
    %mul3A_0 = arith.muli %arg1, %mul3A : i32
    %mul3A_1 = arith.constant 10112 : i32
    %mul3A_2 = arith.muli %arg0, %mul3A_1 : i32
    %add3A = arith.addi %mul3A_2, %mul3A_0 : i32
    "tpu.region"() ({
      %run_scoped3A_77 = tpu.sem_alloc : memref<!tpu.dma_semaphore, #tpu.memory_space<semaphore_mem>>
      %dma_start3A = arith.constant 0 : i32
      %dma_start3A_78 = arith.constant 0 : i32
      %dma_start3A_79 = tpu.memref_slice %arg2[%arg1, %dma_start3A, %dma_start3A_78] : memref<16x40x512xi32, #tpu.memory_space<hbm>> -> memref<1x40x512xi32, #tpu.memory_space<hbm>>
      %dma_start3A_80 = tpu.memref_squeeze %dma_start3A_79 : memref<1x40x512xi32, #tpu.memory_space<hbm>> -> memref<40x512xi32, #tpu.memory_space<hbm>>
      %dma_start3A_81 = arith.constant 0 : i32
      %dma_start3A_82 = arith.constant 0 : i32
      %dma_start3A_83 = tpu.memref_slice %arg2[%arg1, %dma_start3A_81, %dma_start3A_82] : memref<16x40x512xi32, #tpu.memory_space<hbm>> -> memref<1x40x512xi32, #tpu.memory_space<hbm>>
      %dma_start3A_84 = tpu.memref_squeeze %dma_start3A_83 : memref<1x40x512xi32, #tpu.memory_space<hbm>> -> memref<40x512xi32, #tpu.memory_space<hbm>>
      tpu.enqueue_dma source(%dma_start3A_84 : memref<40x512xi32, #tpu.memory_space<hbm>>) target(%arg10 : memref<40x512xi32, #tpu.memory_space<vmem>>) target_semaphore(%run_scoped3A_77 : memref<!tpu.dma_semaphore, #tpu.memory_space<semaphore_mem>>)
      %dma_wait3A_85 = arith.constant 0 : i32
      %dma_wait3A_86 = arith.constant 0 : i32
      %dma_wait3A_87 = tpu.memref_slice %arg2[%arg1, %dma_wait3A_85, %dma_wait3A_86] : memref<16x40x512xi32, #tpu.memory_space<hbm>> -> memref<1x40x512xi32, #tpu.memory_space<hbm>>
      %dma_wait3A_88 = tpu.memref_squeeze %dma_wait3A_87 : memref<1x40x512xi32, #tpu.memory_space<hbm>> -> memref<40x512xi32, #tpu.memory_space<hbm>>
      %dma_wait3A_89 = arith.constant 0 : i32
      %dma_wait3A_90 = arith.constant 0 : i32
      %dma_wait3A_91 = tpu.memref_slice %arg2[%arg1, %dma_wait3A_89, %dma_wait3A_90] : memref<16x40x512xi32, #tpu.memory_space<hbm>> -> memref<1x40x512xi32, #tpu.memory_space<hbm>>
      %dma_wait3A_92 = tpu.memref_squeeze %dma_wait3A_91 : memref<1x40x512xi32, #tpu.memory_space<hbm>> -> memref<40x512xi32, #tpu.memory_space<hbm>>
      tpu.wait_dma2 semaphore(%run_scoped3A_77 : memref<!tpu.dma_semaphore, #tpu.memory_space<semaphore_mem>>) src(%dma_wait3A_92 : memref<40x512xi32, #tpu.memory_space<hbm>>) dst(%arg10 : memref<40x512xi32, #tpu.memory_space<vmem>>)
      tpu.yield
    }) : () -> ()
    "tpu.region"() ({
      %run_scoped3A_77 = tpu.sem_alloc : memref<!tpu.dma_semaphore, #tpu.memory_space<semaphore_mem>>
      %dma_start3A = arith.constant 0 : i32
      %dma_start3A_78 = arith.constant 0 : i32
      %dma_start3A_79 = tpu.memref_slice %arg3[%arg1, %dma_start3A, %dma_start3A_78] : memref<16x40x512xi32, #tpu.memory_space<hbm>> -> memref<1x40x512xi32, #tpu.memory_space<hbm>>
      %dma_start3A_80 = tpu.memref_squeeze %dma_start3A_79 : memref<1x40x512xi32, #tpu.memory_space<hbm>> -> memref<40x512xi32, #tpu.memory_space<hbm>>
      %dma_start3A_81 = arith.constant 0 : i32
      %dma_start3A_82 = arith.constant 0 : i32
      %dma_start3A_83 = tpu.memref_slice %arg3[%arg1, %dma_start3A_81, %dma_start3A_82] : memref<16x40x512xi32, #tpu.memory_space<hbm>> -> memref<1x40x512xi32, #tpu.memory_space<hbm>>
      %dma_start3A_84 = tpu.memref_squeeze %dma_start3A_83 : memref<1x40x512xi32, #tpu.memory_space<hbm>> -> memref<40x512xi32, #tpu.memory_space<hbm>>
      tpu.enqueue_dma source(%dma_start3A_84 : memref<40x512xi32, #tpu.memory_space<hbm>>) target(%arg11 : memref<40x512xi32, #tpu.memory_space<vmem>>) target_semaphore(%run_scoped3A_77 : memref<!tpu.dma_semaphore, #tpu.memory_space<semaphore_mem>>)
      %dma_wait3A_85 = arith.constant 0 : i32
      %dma_wait3A_86 = arith.constant 0 : i32
      %dma_wait3A_87 = tpu.memref_slice %arg3[%arg1, %dma_wait3A_85, %dma_wait3A_86] : memref<16x40x512xi32, #tpu.memory_space<hbm>> -> memref<1x40x512xi32, #tpu.memory_space<hbm>>
      %dma_wait3A_88 = tpu.memref_squeeze %dma_wait3A_87 : memref<1x40x512xi32, #tpu.memory_space<hbm>> -> memref<40x512xi32, #tpu.memory_space<hbm>>
      %dma_wait3A_89 = arith.constant 0 : i32
      %dma_wait3A_90 = arith.constant 0 : i32
      %dma_wait3A_91 = tpu.memref_slice %arg3[%arg1, %dma_wait3A_89, %dma_wait3A_90] : memref<16x40x512xi32, #tpu.memory_space<hbm>> -> memref<1x40x512xi32, #tpu.memory_space<hbm>>
      %dma_wait3A_92 = tpu.memref_squeeze %dma_wait3A_91 : memref<1x40x512xi32, #tpu.memory_space<hbm>> -> memref<40x512xi32, #tpu.memory_space<hbm>>
      tpu.wait_dma2 semaphore(%run_scoped3A_77 : memref<!tpu.dma_semaphore, #tpu.memory_space<semaphore_mem>>) src(%dma_wait3A_92 : memref<40x512xi32, #tpu.memory_space<hbm>>) dst(%arg11 : memref<40x512xi32, #tpu.memory_space<vmem>>)
      tpu.yield
    }) : () -> ()
    "tpu.region"() ({
      %run_scoped3A_77 = tpu.sem_alloc : memref<!tpu.dma_semaphore, #tpu.memory_space<semaphore_mem>>
      %dma_start3A = arith.constant 0 : i32
      %dma_start3A_78 = arith.constant 0 : i32
      %dma_start3A_79 = tpu.memref_slice %arg12[%dma_start3A, %dma_start3A_78] : memref<1536x16xf32, #tpu.memory_space<vmem>> -> memref<512x16xf32, #tpu.memory_space<vmem>>
      %dma_start3A_80 = arith.constant 0 : i32
      %dma_start3A_81 = arith.constant 0 : i32
      %dma_start3A_82 = tpu.memref_slice %arg12[%dma_start3A_80, %dma_start3A_81] : memref<1536x16xf32, #tpu.memory_space<vmem>> -> memref<512x16xf32, #tpu.memory_space<vmem>>
      tpu.enqueue_dma source(%arg4 : memref<512x16xf32, #tpu.memory_space<hbm>>) target(%dma_start3A_82 : memref<512x16xf32, #tpu.memory_space<vmem>>) target_semaphore(%run_scoped3A_77 : memref<!tpu.dma_semaphore, #tpu.memory_space<semaphore_mem>>)
      %dma_wait3A_83 = arith.constant 0 : i32
      %dma_wait3A_84 = arith.constant 0 : i32
      %dma_wait3A_85 = tpu.memref_slice %arg12[%dma_wait3A_83, %dma_wait3A_84] : memref<1536x16xf32, #tpu.memory_space<vmem>> -> memref<512x16xf32, #tpu.memory_space<vmem>>
      %dma_wait3A_86 = arith.constant 0 : i32
      %dma_wait3A_87 = arith.constant 0 : i32
      %dma_wait3A_88 = tpu.memref_slice %arg12[%dma_wait3A_86, %dma_wait3A_87] : memref<1536x16xf32, #tpu.memory_space<vmem>> -> memref<512x16xf32, #tpu.memory_space<vmem>>
      tpu.wait_dma2 semaphore(%run_scoped3A_77 : memref<!tpu.dma_semaphore, #tpu.memory_space<semaphore_mem>>) src(%arg4 : memref<512x16xf32, #tpu.memory_space<hbm>>) dst(%dma_wait3A_88 : memref<512x16xf32, #tpu.memory_space<vmem>>)
      tpu.yield
    }) : () -> ()
    "tpu.region"() ({
      %run_scoped3A_77 = tpu.sem_alloc : memref<!tpu.dma_semaphore, #tpu.memory_space<semaphore_mem>>
      tpu.enqueue_dma source(%arg5 : memref<158x16xf32, #tpu.memory_space<hbm>>) target(%arg17 : memref<158x16xf32, #tpu.memory_space<vmem>>) target_semaphore(%run_scoped3A_77 : memref<!tpu.dma_semaphore, #tpu.memory_space<semaphore_mem>>)
      tpu.wait_dma2 semaphore(%run_scoped3A_77 : memref<!tpu.dma_semaphore, #tpu.memory_space<semaphore_mem>>) src(%arg5 : memref<158x16xf32, #tpu.memory_space<hbm>>) dst(%arg17 : memref<158x16xf32, #tpu.memory_space<vmem>>)
      tpu.yield
    }) : () -> ()
    "tpu.region"() ({
      %run_scoped3A_77 = tpu.sem_alloc : memref<!tpu.dma_semaphore, #tpu.memory_space<semaphore_mem>>
      %dma_start3A = arith.constant 0 : i32
      %dma_start3A_78 = tpu.memref_slice %arg6[%add3A, %dma_start3A] : memref<20224x16xf32, #tpu.memory_space<hbm>> -> memref<632x16xf32, #tpu.memory_space<hbm>>
      %dma_start3A_79 = arith.constant 0 : i32
      %dma_start3A_80 = tpu.memref_slice %arg6[%add3A, %dma_start3A_79] : memref<20224x16xf32, #tpu.memory_space<hbm>> -> memref<632x16xf32, #tpu.memory_space<hbm>>
      tpu.enqueue_dma source(%dma_start3A_80 : memref<632x16xf32, #tpu.memory_space<hbm>>) target(%arg14 : memref<632x16xf32, #tpu.memory_space<vmem>>) target_semaphore(%run_scoped3A_77 : memref<!tpu.dma_semaphore, #tpu.memory_space<semaphore_mem>>)
      %dma_wait3A_81 = arith.constant 0 : i32
      %dma_wait3A_82 = tpu.memref_slice %arg6[%add3A, %dma_wait3A_81] : memref<20224x16xf32, #tpu.memory_space<hbm>> -> memref<632x16xf32, #tpu.memory_space<hbm>>
      %dma_wait3A_83 = arith.constant 0 : i32
      %dma_wait3A_84 = tpu.memref_slice %arg6[%add3A, %dma_wait3A_83] : memref<20224x16xf32, #tpu.memory_space<hbm>> -> memref<632x16xf32, #tpu.memory_space<hbm>>
      tpu.wait_dma2 semaphore(%run_scoped3A_77 : memref<!tpu.dma_semaphore, #tpu.memory_space<semaphore_mem>>) src(%dma_wait3A_84 : memref<632x16xf32, #tpu.memory_space<hbm>>) dst(%arg14 : memref<632x16xf32, #tpu.memory_space<vmem>>)
      tpu.yield
    }) : () -> ()
    %add3A_3 = arith.constant 0 : i32
    %add3A_4 = arith.addi %mul3A_0, %add3A_3 : i32
    "tpu.region"() ({
      %run_scoped3A_77 = tpu.sem_alloc : memref<!tpu.dma_semaphore, #tpu.memory_space<semaphore_mem>>
      %dma_start3A = arith.constant 0 : i32
      %dma_start3A_78 = tpu.memref_slice %arg9[%add3A_4, %dma_start3A] : memref<10112x16xf32, #tpu.memory_space<vmem_shared>> -> memref<158x16xf32, #tpu.memory_space<vmem_shared>>
      %dma_start3A_79 = arith.constant 0 : i32
      %dma_start3A_80 = tpu.memref_slice %arg9[%add3A_4, %dma_start3A_79] : memref<10112x16xf32, #tpu.memory_space<vmem_shared>> -> memref<158x16xf32, #tpu.memory_space<vmem_shared>>
      tpu.enqueue_dma source(%arg17 : memref<158x16xf32, #tpu.memory_space<vmem>>) target(%dma_start3A_80 : memref<158x16xf32, #tpu.memory_space<vmem_shared>>) target_semaphore(%run_scoped3A_77 : memref<!tpu.dma_semaphore, #tpu.memory_space<semaphore_mem>>)
      %dma_wait3A_81 = arith.constant 0 : i32
      %dma_wait3A_82 = tpu.memref_slice %arg9[%add3A_4, %dma_wait3A_81] : memref<10112x16xf32, #tpu.memory_space<vmem_shared>> -> memref<158x16xf32, #tpu.memory_space<vmem_shared>>
      %dma_wait3A_83 = arith.constant 0 : i32
      %dma_wait3A_84 = tpu.memref_slice %arg9[%add3A_4, %dma_wait3A_83] : memref<10112x16xf32, #tpu.memory_space<vmem_shared>> -> memref<158x16xf32, #tpu.memory_space<vmem_shared>>
      tpu.wait_dma2 semaphore(%run_scoped3A_77 : memref<!tpu.dma_semaphore, #tpu.memory_space<semaphore_mem>>) src(%arg17 : memref<158x16xf32, #tpu.memory_space<vmem>>) dst(%dma_wait3A_84 : memref<158x16xf32, #tpu.memory_space<vmem_shared>>)
      tpu.yield
    }) : () -> ()
    %add3A_5 = arith.constant 158 : i32
    %add3A_6 = arith.addi %mul3A_0, %add3A_5 : i32
    "tpu.region"() ({
      %run_scoped3A_77 = tpu.sem_alloc : memref<!tpu.dma_semaphore, #tpu.memory_space<semaphore_mem>>
      %dma_start3A = arith.constant 0 : i32
      %dma_start3A_78 = tpu.memref_slice %arg9[%add3A_6, %dma_start3A] : memref<10112x16xf32, #tpu.memory_space<vmem_shared>> -> memref<158x16xf32, #tpu.memory_space<vmem_shared>>
      %dma_start3A_79 = arith.constant 0 : i32
      %dma_start3A_80 = tpu.memref_slice %arg9[%add3A_6, %dma_start3A_79] : memref<10112x16xf32, #tpu.memory_space<vmem_shared>> -> memref<158x16xf32, #tpu.memory_space<vmem_shared>>
      tpu.enqueue_dma source(%arg17 : memref<158x16xf32, #tpu.memory_space<vmem>>) target(%dma_start3A_80 : memref<158x16xf32, #tpu.memory_space<vmem_shared>>) target_semaphore(%run_scoped3A_77 : memref<!tpu.dma_semaphore, #tpu.memory_space<semaphore_mem>>)
      %dma_wait3A_81 = arith.constant 0 : i32
      %dma_wait3A_82 = tpu.memref_slice %arg9[%add3A_6, %dma_wait3A_81] : memref<10112x16xf32, #tpu.memory_space<vmem_shared>> -> memref<158x16xf32, #tpu.memory_space<vmem_shared>>
      %dma_wait3A_83 = arith.constant 0 : i32
      %dma_wait3A_84 = tpu.memref_slice %arg9[%add3A_6, %dma_wait3A_83] : memref<10112x16xf32, #tpu.memory_space<vmem_shared>> -> memref<158x16xf32, #tpu.memory_space<vmem_shared>>
      tpu.wait_dma2 semaphore(%run_scoped3A_77 : memref<!tpu.dma_semaphore, #tpu.memory_space<semaphore_mem>>) src(%arg17 : memref<158x16xf32, #tpu.memory_space<vmem>>) dst(%dma_wait3A_84 : memref<158x16xf32, #tpu.memory_space<vmem_shared>>)
      tpu.yield
    }) : () -> ()
    %add3A_7 = arith.constant 316 : i32
    %add3A_8 = arith.addi %mul3A_0, %add3A_7 : i32
    "tpu.region"() ({
      %run_scoped3A_77 = tpu.sem_alloc : memref<!tpu.dma_semaphore, #tpu.memory_space<semaphore_mem>>
      %dma_start3A = arith.constant 0 : i32
      %dma_start3A_78 = tpu.memref_slice %arg9[%add3A_8, %dma_start3A] : memref<10112x16xf32, #tpu.memory_space<vmem_shared>> -> memref<158x16xf32, #tpu.memory_space<vmem_shared>>
      %dma_start3A_79 = arith.constant 0 : i32
      %dma_start3A_80 = tpu.memref_slice %arg9[%add3A_8, %dma_start3A_79] : memref<10112x16xf32, #tpu.memory_space<vmem_shared>> -> memref<158x16xf32, #tpu.memory_space<vmem_shared>>
      tpu.enqueue_dma source(%arg17 : memref<158x16xf32, #tpu.memory_space<vmem>>) target(%dma_start3A_80 : memref<158x16xf32, #tpu.memory_space<vmem_shared>>) target_semaphore(%run_scoped3A_77 : memref<!tpu.dma_semaphore, #tpu.memory_space<semaphore_mem>>)
      %dma_wait3A_81 = arith.constant 0 : i32
      %dma_wait3A_82 = tpu.memref_slice %arg9[%add3A_8, %dma_wait3A_81] : memref<10112x16xf32, #tpu.memory_space<vmem_shared>> -> memref<158x16xf32, #tpu.memory_space<vmem_shared>>
      %dma_wait3A_83 = arith.constant 0 : i32
      %dma_wait3A_84 = tpu.memref_slice %arg9[%add3A_8, %dma_wait3A_83] : memref<10112x16xf32, #tpu.memory_space<vmem_shared>> -> memref<158x16xf32, #tpu.memory_space<vmem_shared>>
      tpu.wait_dma2 semaphore(%run_scoped3A_77 : memref<!tpu.dma_semaphore, #tpu.memory_space<semaphore_mem>>) src(%arg17 : memref<158x16xf32, #tpu.memory_space<vmem>>) dst(%dma_wait3A_84 : memref<158x16xf32, #tpu.memory_space<vmem_shared>>)
      tpu.yield
    }) : () -> ()
    %add3A_9 = arith.constant 474 : i32
    %add3A_10 = arith.addi %mul3A_0, %add3A_9 : i32
    "tpu.region"() ({
      %run_scoped3A_77 = tpu.sem_alloc : memref<!tpu.dma_semaphore, #tpu.memory_space<semaphore_mem>>
      %dma_start3A = arith.constant 0 : i32
      %dma_start3A_78 = tpu.memref_slice %arg9[%add3A_10, %dma_start3A] : memref<10112x16xf32, #tpu.memory_space<vmem_shared>> -> memref<158x16xf32, #tpu.memory_space<vmem_shared>>
      %dma_start3A_79 = arith.constant 0 : i32
      %dma_start3A_80 = tpu.memref_slice %arg9[%add3A_10, %dma_start3A_79] : memref<10112x16xf32, #tpu.memory_space<vmem_shared>> -> memref<158x16xf32, #tpu.memory_space<vmem_shared>>
      tpu.enqueue_dma source(%arg17 : memref<158x16xf32, #tpu.memory_space<vmem>>) target(%dma_start3A_80 : memref<158x16xf32, #tpu.memory_space<vmem_shared>>) target_semaphore(%run_scoped3A_77 : memref<!tpu.dma_semaphore, #tpu.memory_space<semaphore_mem>>)
      %dma_wait3A_81 = arith.constant 0 : i32
      %dma_wait3A_82 = tpu.memref_slice %arg9[%add3A_10, %dma_wait3A_81] : memref<10112x16xf32, #tpu.memory_space<vmem_shared>> -> memref<158x16xf32, #tpu.memory_space<vmem_shared>>
      %dma_wait3A_83 = arith.constant 0 : i32
      %dma_wait3A_84 = tpu.memref_slice %arg9[%add3A_10, %dma_wait3A_83] : memref<10112x16xf32, #tpu.memory_space<vmem_shared>> -> memref<158x16xf32, #tpu.memory_space<vmem_shared>>
      tpu.wait_dma2 semaphore(%run_scoped3A_77 : memref<!tpu.dma_semaphore, #tpu.memory_space<semaphore_mem>>) src(%arg17 : memref<158x16xf32, #tpu.memory_space<vmem>>) dst(%dma_wait3A_84 : memref<158x16xf32, #tpu.memory_space<vmem_shared>>)
      tpu.yield
    }) : () -> ()
    %barrier3A = arith.constant 0 : index
    tpu.barrier barrier_id(%barrier3A)
    %scan3A = arith.constant 0 : i32
    %scan3A_11 = arith.constant 13 : i32
    %scan3A_12 = arith.addi %scan3A, %scan3A_11 : i32
    %scan3A_13 = arith.constant 1 : i32
    scf.for %scan3A_77 = %scan3A to %scan3A_12 step %scan3A_13  : i32 {
      %mul3A_78 = arith.constant 3 : i32
      %mul3A_79 = arith.muli %scan3A_77, %mul3A_78 : i32
      %add3A_80 = arith.constant 0 : i32
      %add3A_81 = arith.addi %add3A_80, %mul3A_79 : i32
      %add3A_82 = arith.constant 0 : i32
      %add3A_83 = arith.addi %add3A_81, %add3A_82 : i32
      %ge3A = arith.constant 3 : i32
      %ge3A_84 = arith.cmpi sge, %add3A_81, %ge3A : i32
      %convert_element_type3A_85 = arith.extui %ge3A_84 : i1 to i32
      %cond3A_86 = arith.constant 0 : i32
      %cond3A_87 = arith.cmpi ne, %convert_element_type3A_85, %cond3A_86 : i32
      scf.if %cond3A_87 {
        %sub3A = arith.constant 3 : i32
        %sub3A_128 = arith.subi %add3A_83, %sub3A : i32
        %dma_wait3A_129 = arith.constant 0 : i32
        %dma_wait3A_130 = arith.constant 0 : i32
        %dma_wait3A_131 = tpu.memref_slice %arg12[%dma_wait3A_129, %dma_wait3A_130] : memref<1536x16xf32, #tpu.memory_space<vmem>> -> memref<512x16xf32, #tpu.memory_space<vmem>>
        %dma_wait3A_132 = arith.constant 0 : i32
        %dma_wait3A_133 = tpu.memref_slice %arg11[%sub3A_128, %dma_wait3A_132] : memref<40x512xi32, #tpu.memory_space<vmem>> -> memref<1x512xi32, #tpu.memory_space<vmem>>
        %dma_wait3A_134 = tpu.memref_squeeze %dma_wait3A_133 : memref<1x512xi32, #tpu.memory_space<vmem>> -> memref<512xi32, #tpu.memory_space<vmem>>
        %dma_wait3A_135 = arith.constant 0 : i32
        %dma_wait3A_136 = arith.constant 0 : i32
        %dma_wait3A_137 = tpu.memref_slice %arg9[%dma_wait3A_135, %dma_wait3A_136] : memref<10112x16xf32, #tpu.memory_space<vmem_shared>> -> memref<10112x16xf32, #tpu.memory_space<vmem_shared>>
        tpu.wait_indirect_dma semaphore(%arg21 : memref<!tpu.dma_semaphore, #tpu.memory_space<semaphore_mem>>) src(%dma_wait3A_131 : memref<512x16xf32, #tpu.memory_space<vmem>>) dst(%dma_wait3A_137 : memref<10112x16xf32, #tpu.memory_space<vmem_shared>>)
      } else {
      }
      %dma_start3A = arith.constant 0 : i32
      %dma_start3A_88 = arith.constant 0 : i32
      %dma_start3A_89 = tpu.memref_slice %arg12[%dma_start3A, %dma_start3A_88] : memref<1536x16xf32, #tpu.memory_space<vmem>> -> memref<512x16xf32, #tpu.memory_space<vmem>>
      %dma_start3A_90 = arith.constant 0 : i32
      %dma_start3A_91 = tpu.memref_slice %arg11[%add3A_83, %dma_start3A_90] : memref<40x512xi32, #tpu.memory_space<vmem>> -> memref<1x512xi32, #tpu.memory_space<vmem>>
      %dma_start3A_92 = tpu.memref_squeeze %dma_start3A_91 : memref<1x512xi32, #tpu.memory_space<vmem>> -> memref<512xi32, #tpu.memory_space<vmem>>
      %dma_start3A_93 = arith.constant 0 : i32
      %dma_start3A_94 = arith.constant 0 : i32
      %dma_start3A_95 = tpu.memref_slice %arg9[%dma_start3A_93, %dma_start3A_94] : memref<10112x16xf32, #tpu.memory_space<vmem_shared>> -> memref<10112x16xf32, #tpu.memory_space<vmem_shared>>
      tpu.enqueue_indirect_dma source(%dma_start3A_89 : memref<512x16xf32, #tpu.memory_space<vmem>>) target(%dma_start3A_95 : memref<10112x16xf32, #tpu.memory_space<vmem_shared>>) offsets(%dma_start3A_92 : memref<512xi32, #tpu.memory_space<vmem>>) semaphore(%arg21 : memref<!tpu.dma_semaphore, #tpu.memory_space<semaphore_mem>>) {add = true}
      %add3A_96 = arith.constant 1 : i32
      %add3A_97 = arith.addi %add3A_81, %add3A_96 : i32
      %ge3A_98 = arith.constant 3 : i32
      %ge3A_99 = arith.cmpi sge, %add3A_81, %ge3A_98 : i32
      %convert_element_type3A_100 = arith.extui %ge3A_99 : i1 to i32
      %cond3A_101 = arith.constant 0 : i32
      %cond3A_102 = arith.cmpi ne, %convert_element_type3A_100, %cond3A_101 : i32
      scf.if %cond3A_102 {
        %sub3A = arith.constant 3 : i32
        %sub3A_128 = arith.subi %add3A_97, %sub3A : i32
        %dma_wait3A_129 = arith.constant 0 : i32
        %dma_wait3A_130 = arith.constant 0 : i32
        %dma_wait3A_131 = tpu.memref_slice %arg12[%dma_wait3A_129, %dma_wait3A_130] : memref<1536x16xf32, #tpu.memory_space<vmem>> -> memref<512x16xf32, #tpu.memory_space<vmem>>
        %dma_wait3A_132 = arith.constant 0 : i32
        %dma_wait3A_133 = tpu.memref_slice %arg11[%sub3A_128, %dma_wait3A_132] : memref<40x512xi32, #tpu.memory_space<vmem>> -> memref<1x512xi32, #tpu.memory_space<vmem>>
        %dma_wait3A_134 = tpu.memref_squeeze %dma_wait3A_133 : memref<1x512xi32, #tpu.memory_space<vmem>> -> memref<512xi32, #tpu.memory_space<vmem>>
        %dma_wait3A_135 = arith.constant 0 : i32
        %dma_wait3A_136 = arith.constant 0 : i32
        %dma_wait3A_137 = tpu.memref_slice %arg9[%dma_wait3A_135, %dma_wait3A_136] : memref<10112x16xf32, #tpu.memory_space<vmem_shared>> -> memref<10112x16xf32, #tpu.memory_space<vmem_shared>>
        tpu.wait_indirect_dma semaphore(%arg22 : memref<!tpu.dma_semaphore, #tpu.memory_space<semaphore_mem>>) src(%dma_wait3A_131 : memref<512x16xf32, #tpu.memory_space<vmem>>) dst(%dma_wait3A_137 : memref<10112x16xf32, #tpu.memory_space<vmem_shared>>)
      } else {
      }
      %dma_start3A_103 = arith.constant 0 : i32
      %dma_start3A_104 = arith.constant 0 : i32
      %dma_start3A_105 = tpu.memref_slice %arg12[%dma_start3A_103, %dma_start3A_104] : memref<1536x16xf32, #tpu.memory_space<vmem>> -> memref<512x16xf32, #tpu.memory_space<vmem>>
      %dma_start3A_106 = arith.constant 0 : i32
      %dma_start3A_107 = tpu.memref_slice %arg11[%add3A_97, %dma_start3A_106] : memref<40x512xi32, #tpu.memory_space<vmem>> -> memref<1x512xi32, #tpu.memory_space<vmem>>
      %dma_start3A_108 = tpu.memref_squeeze %dma_start3A_107 : memref<1x512xi32, #tpu.memory_space<vmem>> -> memref<512xi32, #tpu.memory_space<vmem>>
      %dma_start3A_109 = arith.constant 0 : i32
      %dma_start3A_110 = arith.constant 0 : i32
      %dma_start3A_111 = tpu.memref_slice %arg9[%dma_start3A_109, %dma_start3A_110] : memref<10112x16xf32, #tpu.memory_space<vmem_shared>> -> memref<10112x16xf32, #tpu.memory_space<vmem_shared>>
      tpu.enqueue_indirect_dma source(%dma_start3A_105 : memref<512x16xf32, #tpu.memory_space<vmem>>) target(%dma_start3A_111 : memref<10112x16xf32, #tpu.memory_space<vmem_shared>>) offsets(%dma_start3A_108 : memref<512xi32, #tpu.memory_space<vmem>>) semaphore(%arg22 : memref<!tpu.dma_semaphore, #tpu.memory_space<semaphore_mem>>) {add = true}
      %add3A_112 = arith.constant 2 : i32
      %add3A_113 = arith.addi %add3A_81, %add3A_112 : i32
      %ge3A_114 = arith.constant 3 : i32
      %ge3A_115 = arith.cmpi sge, %add3A_81, %ge3A_114 : i32
      %convert_element_type3A_116 = arith.extui %ge3A_115 : i1 to i32
      %cond3A_117 = arith.constant 0 : i32
      %cond3A_118 = arith.cmpi ne, %convert_element_type3A_116, %cond3A_117 : i32
      scf.if %cond3A_118 {
        %sub3A = arith.constant 3 : i32
        %sub3A_128 = arith.subi %add3A_113, %sub3A : i32
        %dma_wait3A_129 = arith.constant 0 : i32
        %dma_wait3A_130 = arith.constant 0 : i32
        %dma_wait3A_131 = tpu.memref_slice %arg12[%dma_wait3A_129, %dma_wait3A_130] : memref<1536x16xf32, #tpu.memory_space<vmem>> -> memref<512x16xf32, #tpu.memory_space<vmem>>
        %dma_wait3A_132 = arith.constant 0 : i32
        %dma_wait3A_133 = tpu.memref_slice %arg11[%sub3A_128, %dma_wait3A_132] : memref<40x512xi32, #tpu.memory_space<vmem>> -> memref<1x512xi32, #tpu.memory_space<vmem>>
        %dma_wait3A_134 = tpu.memref_squeeze %dma_wait3A_133 : memref<1x512xi32, #tpu.memory_space<vmem>> -> memref<512xi32, #tpu.memory_space<vmem>>
        %dma_wait3A_135 = arith.constant 0 : i32
        %dma_wait3A_136 = arith.constant 0 : i32
        %dma_wait3A_137 = tpu.memref_slice %arg9[%dma_wait3A_135, %dma_wait3A_136] : memref<10112x16xf32, #tpu.memory_space<vmem_shared>> -> memref<10112x16xf32, #tpu.memory_space<vmem_shared>>
        tpu.wait_indirect_dma semaphore(%arg23 : memref<!tpu.dma_semaphore, #tpu.memory_space<semaphore_mem>>) src(%dma_wait3A_131 : memref<512x16xf32, #tpu.memory_space<vmem>>) dst(%dma_wait3A_137 : memref<10112x16xf32, #tpu.memory_space<vmem_shared>>)
      } else {
      }
      %dma_start3A_119 = arith.constant 0 : i32
      %dma_start3A_120 = arith.constant 0 : i32
      %dma_start3A_121 = tpu.memref_slice %arg12[%dma_start3A_119, %dma_start3A_120] : memref<1536x16xf32, #tpu.memory_space<vmem>> -> memref<512x16xf32, #tpu.memory_space<vmem>>
      %dma_start3A_122 = arith.constant 0 : i32
      %dma_start3A_123 = tpu.memref_slice %arg11[%add3A_113, %dma_start3A_122] : memref<40x512xi32, #tpu.memory_space<vmem>> -> memref<1x512xi32, #tpu.memory_space<vmem>>
      %dma_start3A_124 = tpu.memref_squeeze %dma_start3A_123 : memref<1x512xi32, #tpu.memory_space<vmem>> -> memref<512xi32, #tpu.memory_space<vmem>>
      %dma_start3A_125 = arith.constant 0 : i32
      %dma_start3A_126 = arith.constant 0 : i32
      %dma_start3A_127 = tpu.memref_slice %arg9[%dma_start3A_125, %dma_start3A_126] : memref<10112x16xf32, #tpu.memory_space<vmem_shared>> -> memref<10112x16xf32, #tpu.memory_space<vmem_shared>>
      tpu.enqueue_indirect_dma source(%dma_start3A_121 : memref<512x16xf32, #tpu.memory_space<vmem>>) target(%dma_start3A_127 : memref<10112x16xf32, #tpu.memory_space<vmem_shared>>) offsets(%dma_start3A_124 : memref<512xi32, #tpu.memory_space<vmem>>) semaphore(%arg23 : memref<!tpu.dma_semaphore, #tpu.memory_space<semaphore_mem>>) {add = true}
    }
    %scan3A_14 = arith.constant 13 : i32
    %dma_wait3A = arith.constant 36 : i32
    %dma_wait3A_15 = arith.constant 0 : i32
    %dma_wait3A_16 = arith.constant 0 : i32
    %dma_wait3A_17 = tpu.memref_slice %arg12[%dma_wait3A_15, %dma_wait3A_16] : memref<1536x16xf32, #tpu.memory_space<vmem>> -> memref<512x16xf32, #tpu.memory_space<vmem>>
    %dma_wait3A_18 = arith.constant 0 : i32
    %dma_wait3A_19 = tpu.memref_slice %arg11[%dma_wait3A, %dma_wait3A_18] : memref<40x512xi32, #tpu.memory_space<vmem>> -> memref<1x512xi32, #tpu.memory_space<vmem>>
    %dma_wait3A_20 = tpu.memref_squeeze %dma_wait3A_19 : memref<1x512xi32, #tpu.memory_space<vmem>> -> memref<512xi32, #tpu.memory_space<vmem>>
    %dma_wait3A_21 = arith.constant 0 : i32
    %dma_wait3A_22 = arith.constant 0 : i32
    %dma_wait3A_23 = tpu.memref_slice %arg9[%dma_wait3A_21, %dma_wait3A_22] : memref<10112x16xf32, #tpu.memory_space<vmem_shared>> -> memref<10112x16xf32, #tpu.memory_space<vmem_shared>>
    tpu.wait_indirect_dma semaphore(%arg21 : memref<!tpu.dma_semaphore, #tpu.memory_space<semaphore_mem>>) src(%dma_wait3A_17 : memref<512x16xf32, #tpu.memory_space<vmem>>) dst(%dma_wait3A_23 : memref<10112x16xf32, #tpu.memory_space<vmem_shared>>)
    %dma_wait3A_24 = arith.constant 37 : i32
    %dma_wait3A_25 = arith.constant 0 : i32
    %dma_wait3A_26 = arith.constant 0 : i32
    %dma_wait3A_27 = tpu.memref_slice %arg12[%dma_wait3A_25, %dma_wait3A_26] : memref<1536x16xf32, #tpu.memory_space<vmem>> -> memref<512x16xf32, #tpu.memory_space<vmem>>
    %dma_wait3A_28 = arith.constant 0 : i32
    %dma_wait3A_29 = tpu.memref_slice %arg11[%dma_wait3A_24, %dma_wait3A_28] : memref<40x512xi32, #tpu.memory_space<vmem>> -> memref<1x512xi32, #tpu.memory_space<vmem>>
    %dma_wait3A_30 = tpu.memref_squeeze %dma_wait3A_29 : memref<1x512xi32, #tpu.memory_space<vmem>> -> memref<512xi32, #tpu.memory_space<vmem>>
    %dma_wait3A_31 = arith.constant 0 : i32
    %dma_wait3A_32 = arith.constant 0 : i32
    %dma_wait3A_33 = tpu.memref_slice %arg9[%dma_wait3A_31, %dma_wait3A_32] : memref<10112x16xf32, #tpu.memory_space<vmem_shared>> -> memref<10112x16xf32, #tpu.memory_space<vmem_shared>>
    tpu.wait_indirect_dma semaphore(%arg22 : memref<!tpu.dma_semaphore, #tpu.memory_space<semaphore_mem>>) src(%dma_wait3A_27 : memref<512x16xf32, #tpu.memory_space<vmem>>) dst(%dma_wait3A_33 : memref<10112x16xf32, #tpu.memory_space<vmem_shared>>)
    %dma_wait3A_34 = arith.constant 38 : i32
    %dma_wait3A_35 = arith.constant 0 : i32
    %dma_wait3A_36 = arith.constant 0 : i32
    %dma_wait3A_37 = tpu.memref_slice %arg12[%dma_wait3A_35, %dma_wait3A_36] : memref<1536x16xf32, #tpu.memory_space<vmem>> -> memref<512x16xf32, #tpu.memory_space<vmem>>
    %dma_wait3A_38 = arith.constant 0 : i32
    %dma_wait3A_39 = tpu.memref_slice %arg11[%dma_wait3A_34, %dma_wait3A_38] : memref<40x512xi32, #tpu.memory_space<vmem>> -> memref<1x512xi32, #tpu.memory_space<vmem>>
    %dma_wait3A_40 = tpu.memref_squeeze %dma_wait3A_39 : memref<1x512xi32, #tpu.memory_space<vmem>> -> memref<512xi32, #tpu.memory_space<vmem>>
    %dma_wait3A_41 = arith.constant 0 : i32
    %dma_wait3A_42 = arith.constant 0 : i32
    %dma_wait3A_43 = tpu.memref_slice %arg9[%dma_wait3A_41, %dma_wait3A_42] : memref<10112x16xf32, #tpu.memory_space<vmem_shared>> -> memref<10112x16xf32, #tpu.memory_space<vmem_shared>>
    tpu.wait_indirect_dma semaphore(%arg23 : memref<!tpu.dma_semaphore, #tpu.memory_space<semaphore_mem>>) src(%dma_wait3A_37 : memref<512x16xf32, #tpu.memory_space<vmem>>) dst(%dma_wait3A_43 : memref<10112x16xf32, #tpu.memory_space<vmem_shared>>)
    %run_scoped3A = arith.constant 39 : i32
    "tpu.region"() ({
      %run_scoped3A_77 = tpu.sem_alloc : memref<!tpu.dma_semaphore, #tpu.memory_space<semaphore_mem>>
      %dma_start3A = arith.constant 0 : i32
      %dma_start3A_78 = arith.constant 0 : i32
      %dma_start3A_79 = tpu.memref_slice %arg12[%dma_start3A, %dma_start3A_78] : memref<1536x16xf32, #tpu.memory_space<vmem>> -> memref<512x16xf32, #tpu.memory_space<vmem>>
      %dma_start3A_80 = arith.constant 0 : i32
      %dma_start3A_81 = tpu.memref_slice %arg11[%run_scoped3A, %dma_start3A_80] : memref<40x512xi32, #tpu.memory_space<vmem>> -> memref<1x512xi32, #tpu.memory_space<vmem>>
      %dma_start3A_82 = tpu.memref_squeeze %dma_start3A_81 : memref<1x512xi32, #tpu.memory_space<vmem>> -> memref<512xi32, #tpu.memory_space<vmem>>
      %dma_start3A_83 = arith.constant 0 : i32
      %dma_start3A_84 = arith.constant 0 : i32
      %dma_start3A_85 = tpu.memref_slice %arg9[%dma_start3A_83, %dma_start3A_84] : memref<10112x16xf32, #tpu.memory_space<vmem_shared>> -> memref<10112x16xf32, #tpu.memory_space<vmem_shared>>
      tpu.enqueue_indirect_dma source(%dma_start3A_79 : memref<512x16xf32, #tpu.memory_space<vmem>>) target(%dma_start3A_85 : memref<10112x16xf32, #tpu.memory_space<vmem_shared>>) offsets(%dma_start3A_82 : memref<512xi32, #tpu.memory_space<vmem>>) semaphore(%run_scoped3A_77 : memref<!tpu.dma_semaphore, #tpu.memory_space<semaphore_mem>>) {add = true}
      %dma_wait3A_86 = arith.constant 0 : i32
      %dma_wait3A_87 = arith.constant 0 : i32
      %dma_wait3A_88 = tpu.memref_slice %arg12[%dma_wait3A_86, %dma_wait3A_87] : memref<1536x16xf32, #tpu.memory_space<vmem>> -> memref<512x16xf32, #tpu.memory_space<vmem>>
      %dma_wait3A_89 = arith.constant 0 : i32
      %dma_wait3A_90 = tpu.memref_slice %arg11[%run_scoped3A, %dma_wait3A_89] : memref<40x512xi32, #tpu.memory_space<vmem>> -> memref<1x512xi32, #tpu.memory_space<vmem>>
      %dma_wait3A_91 = tpu.memref_squeeze %dma_wait3A_90 : memref<1x512xi32, #tpu.memory_space<vmem>> -> memref<512xi32, #tpu.memory_space<vmem>>
      %dma_wait3A_92 = arith.constant 0 : i32
      %dma_wait3A_93 = arith.constant 0 : i32
      %dma_wait3A_94 = tpu.memref_slice %arg9[%dma_wait3A_92, %dma_wait3A_93] : memref<10112x16xf32, #tpu.memory_space<vmem_shared>> -> memref<10112x16xf32, #tpu.memory_space<vmem_shared>>
      tpu.wait_indirect_dma semaphore(%run_scoped3A_77 : memref<!tpu.dma_semaphore, #tpu.memory_space<semaphore_mem>>) src(%dma_wait3A_88 : memref<512x16xf32, #tpu.memory_space<vmem>>) dst(%dma_wait3A_94 : memref<10112x16xf32, #tpu.memory_space<vmem_shared>>)
      tpu.yield
    }) : () -> ()
    %barrier3A_44 = arith.constant 0 : index
    tpu.barrier barrier_id(%barrier3A_44)
    "tpu.region"() ({
      %run_scoped3A_77 = tpu.sem_alloc : memref<!tpu.dma_semaphore, #tpu.memory_space<semaphore_mem>>
      %dma_start3A = arith.constant 0 : i32
      %dma_start3A_78 = arith.constant 0 : i32
      %dma_start3A_79 = tpu.memref_slice %arg12[%dma_start3A, %dma_start3A_78] : memref<1536x16xf32, #tpu.memory_space<vmem>> -> memref<632x16xf32, #tpu.memory_space<vmem>>
      %dma_start3A_80 = arith.constant 0 : i32
      %dma_start3A_81 = tpu.memref_slice %arg9[%mul3A_0, %dma_start3A_80] : memref<10112x16xf32, #tpu.memory_space<vmem_shared>> -> memref<632x16xf32, #tpu.memory_space<vmem_shared>>
      %dma_start3A_82 = arith.constant 0 : i32
      %dma_start3A_83 = arith.constant 0 : i32
      %dma_start3A_84 = tpu.memref_slice %arg12[%dma_start3A_82, %dma_start3A_83] : memref<1536x16xf32, #tpu.memory_space<vmem>> -> memref<632x16xf32, #tpu.memory_space<vmem>>
      %dma_start3A_85 = arith.constant 0 : i32
      %dma_start3A_86 = tpu.memref_slice %arg9[%mul3A_0, %dma_start3A_85] : memref<10112x16xf32, #tpu.memory_space<vmem_shared>> -> memref<632x16xf32, #tpu.memory_space<vmem_shared>>
      tpu.enqueue_dma source(%dma_start3A_86 : memref<632x16xf32, #tpu.memory_space<vmem_shared>>) target(%dma_start3A_84 : memref<632x16xf32, #tpu.memory_space<vmem>>) target_semaphore(%run_scoped3A_77 : memref<!tpu.dma_semaphore, #tpu.memory_space<semaphore_mem>>)
      %dma_wait3A_87 = arith.constant 0 : i32
      %dma_wait3A_88 = arith.constant 0 : i32
      %dma_wait3A_89 = tpu.memref_slice %arg12[%dma_wait3A_87, %dma_wait3A_88] : memref<1536x16xf32, #tpu.memory_space<vmem>> -> memref<632x16xf32, #tpu.memory_space<vmem>>
      %dma_wait3A_90 = arith.constant 0 : i32
      %dma_wait3A_91 = tpu.memref_slice %arg9[%mul3A_0, %dma_wait3A_90] : memref<10112x16xf32, #tpu.memory_space<vmem_shared>> -> memref<632x16xf32, #tpu.memory_space<vmem_shared>>
      %dma_wait3A_92 = arith.constant 0 : i32
      %dma_wait3A_93 = arith.constant 0 : i32
      %dma_wait3A_94 = tpu.memref_slice %arg12[%dma_wait3A_92, %dma_wait3A_93] : memref<1536x16xf32, #tpu.memory_space<vmem>> -> memref<632x16xf32, #tpu.memory_space<vmem>>
      %dma_wait3A_95 = arith.constant 0 : i32
      %dma_wait3A_96 = tpu.memref_slice %arg9[%mul3A_0, %dma_wait3A_95] : memref<10112x16xf32, #tpu.memory_space<vmem_shared>> -> memref<632x16xf32, #tpu.memory_space<vmem_shared>>
      tpu.wait_dma2 semaphore(%run_scoped3A_77 : memref<!tpu.dma_semaphore, #tpu.memory_space<semaphore_mem>>) src(%dma_wait3A_96 : memref<632x16xf32, #tpu.memory_space<vmem_shared>>) dst(%dma_wait3A_94 : memref<632x16xf32, #tpu.memory_space<vmem>>)
      tpu.yield
    }) : () -> ()
    %scan3A_45 = arith.constant 0 : i32
    %scan3A_46 = arith.constant 632 : i32
    %scan3A_47 = arith.addi %scan3A_45, %scan3A_46 : i32
    %scan3A_48 = arith.constant 1 : i32
    scf.for %scan3A_77 = %scan3A_45 to %scan3A_47 step %scan3A_48  : i32 {
      %mul3A_78 = arith.constant 1 : i32
      %mul3A_79 = arith.muli %scan3A_77, %mul3A_78 : i32
      %add3A_80 = arith.constant 0 : i32
      %add3A_81 = arith.addi %add3A_80, %mul3A_79 : i32
      %get3A = arith.index_cast %add3A_81 : i32 to index
      %get3A_82 = arith.constant 0 : index
      %get3A_83 = tpu.vector_load %arg12[%get3A, %get3A_82] {strides = array<i32>} : memref<1536x16xf32, #tpu.memory_space<vmem>>, vector<1x16xf32>,
      %get3A_84 = vector.shape_cast %get3A_83 : vector<1x16xf32> to vector<16xf32>
      %add3A_85 = arith.constant 1.000000e+00 : f32
      %add3A_86 = vector.broadcast %add3A_85 : f32 to vector<16xf32>
      %add3A_87 = arith.addf %get3A_84, %add3A_86 : vector<16xf32>
      %bitcast_convert_type3A = tpu.bitcast %add3A_87 : vector<16xf32> -> vector<16xi32>
      %shift_right_arithmetic3A = arith.constant 1 : i32
      %shift_right_arithmetic3A_88 = vector.broadcast %shift_right_arithmetic3A : i32 to vector<16xi32>
      %shift_right_arithmetic3A_89 = arith.shrsi %bitcast_convert_type3A, %shift_right_arithmetic3A_88 : vector<16xi32>
      %sub3A = arith.constant 1597463007 : i32
      %sub3A_90 = vector.broadcast %sub3A : i32 to vector<16xi32>
      %sub3A_91 = arith.subi %sub3A_90, %shift_right_arithmetic3A_89 : vector<16xi32>
      %bitcast_convert_type3A_92 = tpu.bitcast %sub3A_91 : vector<16xi32> -> vector<16xf32>
      %mul3A_93 = arith.constant 5.000000e-01 : f32
      %mul3A_94 = vector.broadcast %mul3A_93 : f32 to vector<16xf32>
      %mul3A_95 = arith.mulf %mul3A_94, %add3A_87 : vector<16xf32>
      %mul3A_96 = arith.mulf %mul3A_95, %bitcast_convert_type3A_92 : vector<16xf32>
      %mul3A_97 = arith.mulf %mul3A_96, %bitcast_convert_type3A_92 : vector<16xf32>
      %sub3A_98 = arith.constant 1.500000e+00 : f32
      %sub3A_99 = vector.broadcast %sub3A_98 : f32 to vector<16xf32>
      %sub3A_100 = arith.subf %sub3A_99, %mul3A_97 : vector<16xf32>
      %mul3A_101 = arith.mulf %bitcast_convert_type3A_92, %sub3A_100 : vector<16xf32>
      %mul3A_102 = arith.constant 5.000000e-01 : f32
      %mul3A_103 = vector.broadcast %mul3A_102 : f32 to vector<16xf32>
      %mul3A_104 = arith.mulf %mul3A_103, %add3A_87 : vector<16xf32>
      %mul3A_105 = arith.mulf %mul3A_104, %mul3A_101 : vector<16xf32>
      %mul3A_106 = arith.mulf %mul3A_105, %mul3A_101 : vector<16xf32>
      %sub3A_107 = arith.constant 1.500000e+00 : f32
      %sub3A_108 = vector.broadcast %sub3A_107 : f32 to vector<16xf32>
      %sub3A_109 = arith.subf %sub3A_108, %mul3A_106 : vector<16xf32>
      %mul3A_110 = arith.mulf %mul3A_101, %sub3A_109 : vector<16xf32>
      %mul3A_111 = arith.constant 5.000000e-01 : f32
      %mul3A_112 = vector.broadcast %mul3A_111 : f32 to vector<16xf32>
      %mul3A_113 = arith.mulf %mul3A_112, %add3A_87 : vector<16xf32>
      %mul3A_114 = arith.mulf %mul3A_113, %mul3A_110 : vector<16xf32>
      %mul3A_115 = arith.mulf %mul3A_114, %mul3A_110 : vector<16xf32>
      %sub3A_116 = arith.constant 1.500000e+00 : f32
      %sub3A_117 = vector.broadcast %sub3A_116 : f32 to vector<16xf32>
      %sub3A_118 = arith.subf %sub3A_117, %mul3A_115 : vector<16xf32>
      %mul3A_119 = arith.mulf %mul3A_110, %sub3A_118 : vector<16xf32>
      %mul3A_120 = arith.constant 0.899999976 : f32
      %mul3A_121 = vector.broadcast %mul3A_120 : f32 to vector<16xf32>
      %mul3A_122 = arith.mulf %mul3A_121, %mul3A_119 : vector<16xf32>
      %mul3A_123 = arith.mulf %mul3A_122, %mul3A_119 : vector<16xf32>
      %swap3A = arith.index_cast %add3A_81 : i32 to index
      %swap3A_124 = arith.constant 0 : index
      %swap3A_125 = tpu.vector_load %arg15[%swap3A, %swap3A_124] {strides = array<i32>} : memref<632x16xf32, #tpu.memory_space<vmem>>, vector<1x16xf32>,
      %swap3A_126 = vector.shape_cast %swap3A_125 : vector<1x16xf32> to vector<16xf32>
      %swap3A_127 = vector.shape_cast %mul3A_123 : vector<16xf32> to vector<1x16xf32>
      tpu.vector_store %arg15[%swap3A, %swap3A_124], %swap3A_127 {strides = array<i32>} : memref<632x16xf32, #tpu.memory_space<vmem>>, vector<1x16xf32>,
      %mul3A_128 = arith.mulf %add3A_87, %mul3A_119 : vector<16xf32>
      %swap3A_129 = arith.index_cast %add3A_81 : i32 to index
      %swap3A_130 = arith.constant 0 : index
      %swap3A_131 = tpu.vector_load %arg16[%swap3A_129, %swap3A_130] {strides = array<i32>} : memref<632x16xf32, #tpu.memory_space<vmem>>, vector<1x16xf32>,
      %swap3A_132 = vector.shape_cast %swap3A_131 : vector<1x16xf32> to vector<16xf32>
      %swap3A_133 = vector.shape_cast %mul3A_128 : vector<16xf32> to vector<1x16xf32>
      tpu.vector_store %arg16[%swap3A_129, %swap3A_130], %swap3A_133 {strides = array<i32>} : memref<632x16xf32, #tpu.memory_space<vmem>>, vector<1x16xf32>,
      %get3A_134 = arith.index_cast %add3A_81 : i32 to index
      %get3A_135 = arith.constant 0 : index
      %get3A_136 = tpu.vector_load %arg14[%get3A_134, %get3A_135] {strides = array<i32>} : memref<632x16xf32, #tpu.memory_space<vmem>>, vector<1x16xf32>,
      %get3A_137 = vector.shape_cast %get3A_136 : vector<1x16xf32> to vector<16xf32>
      %mul3A_138 = arith.constant 1.000000e-01 : f32
      %mul3A_139 = vector.broadcast %mul3A_138 : f32 to vector<16xf32>
      %mul3A_140 = arith.mulf %mul3A_139, %mul3A_119 : vector<16xf32>
      %mul3A_141 = arith.mulf %mul3A_140, %get3A_137 : vector<16xf32>
      %swap3A_142 = arith.index_cast %add3A_81 : i32 to index
      %swap3A_143 = arith.constant 0 : index
      %swap3A_144 = tpu.vector_load %arg14[%swap3A_142, %swap3A_143] {strides = array<i32>} : memref<632x16xf32, #tpu.memory_space<vmem>>, vector<1x16xf32>,
      %swap3A_145 = vector.shape_cast %swap3A_144 : vector<1x16xf32> to vector<16xf32>
      %swap3A_146 = vector.shape_cast %mul3A_141 : vector<16xf32> to vector<1x16xf32>
      tpu.vector_store %arg14[%swap3A_142, %swap3A_143], %swap3A_146 {strides = array<i32>} : memref<632x16xf32, #tpu.memory_space<vmem>>, vector<1x16xf32>,
      %mul3A_147 = arith.mulf %mul3A_119, %get3A_137 : vector<16xf32>
      %swap3A_148 = arith.index_cast %add3A_81 : i32 to index
      %swap3A_149 = arith.constant 0 : index
      %swap3A_150 = tpu.vector_load %arg13[%swap3A_148, %swap3A_149] {strides = array<i32>} : memref<632x16xf32, #tpu.memory_space<vmem>>, vector<1x16xf32>,
      %swap3A_151 = vector.shape_cast %swap3A_150 : vector<1x16xf32> to vector<16xf32>
      %swap3A_152 = vector.shape_cast %mul3A_147 : vector<16xf32> to vector<1x16xf32>
      tpu.vector_store %arg13[%swap3A_148, %swap3A_149], %swap3A_152 {strides = array<i32>} : memref<632x16xf32, #tpu.memory_space<vmem>>, vector<1x16xf32>,
    }
    %scan3A_49 = arith.constant 632 : i32
    %add3A_50 = arith.constant 0 : i32
    %add3A_51 = arith.addi %mul3A_0, %add3A_50 : i32
    "tpu.region"() ({
      %run_scoped3A_77 = tpu.sem_alloc : memref<!tpu.dma_semaphore, #tpu.memory_space<semaphore_mem>>
      %dma_start3A = arith.constant 0 : i32
      %dma_start3A_78 = tpu.memref_slice %arg9[%add3A_51, %dma_start3A] : memref<10112x16xf32, #tpu.memory_space<vmem_shared>> -> memref<158x16xf32, #tpu.memory_space<vmem_shared>>
      %dma_start3A_79 = arith.constant 0 : i32
      %dma_start3A_80 = tpu.memref_slice %arg9[%add3A_51, %dma_start3A_79] : memref<10112x16xf32, #tpu.memory_space<vmem_shared>> -> memref<158x16xf32, #tpu.memory_space<vmem_shared>>
      tpu.enqueue_dma source(%arg17 : memref<158x16xf32, #tpu.memory_space<vmem>>) target(%dma_start3A_80 : memref<158x16xf32, #tpu.memory_space<vmem_shared>>) target_semaphore(%run_scoped3A_77 : memref<!tpu.dma_semaphore, #tpu.memory_space<semaphore_mem>>)
      %dma_wait3A_81 = arith.constant 0 : i32
      %dma_wait3A_82 = tpu.memref_slice %arg9[%add3A_51, %dma_wait3A_81] : memref<10112x16xf32, #tpu.memory_space<vmem_shared>> -> memref<158x16xf32, #tpu.memory_space<vmem_shared>>
      %dma_wait3A_83 = arith.constant 0 : i32
      %dma_wait3A_84 = tpu.memref_slice %arg9[%add3A_51, %dma_wait3A_83] : memref<10112x16xf32, #tpu.memory_space<vmem_shared>> -> memref<158x16xf32, #tpu.memory_space<vmem_shared>>
      tpu.wait_dma2 semaphore(%run_scoped3A_77 : memref<!tpu.dma_semaphore, #tpu.memory_space<semaphore_mem>>) src(%arg17 : memref<158x16xf32, #tpu.memory_space<vmem>>) dst(%dma_wait3A_84 : memref<158x16xf32, #tpu.memory_space<vmem_shared>>)
      tpu.yield
    }) : () -> ()
    %add3A_52 = arith.constant 158 : i32
    %add3A_53 = arith.addi %mul3A_0, %add3A_52 : i32
    "tpu.region"() ({
      %run_scoped3A_77 = tpu.sem_alloc : memref<!tpu.dma_semaphore, #tpu.memory_space<semaphore_mem>>
      %dma_start3A = arith.constant 0 : i32
      %dma_start3A_78 = tpu.memref_slice %arg9[%add3A_53, %dma_start3A] : memref<10112x16xf32, #tpu.memory_space<vmem_shared>> -> memref<158x16xf32, #tpu.memory_space<vmem_shared>>
      %dma_start3A_79 = arith.constant 0 : i32
      %dma_start3A_80 = tpu.memref_slice %arg9[%add3A_53, %dma_start3A_79] : memref<10112x16xf32, #tpu.memory_space<vmem_shared>> -> memref<158x16xf32, #tpu.memory_space<vmem_shared>>
      tpu.enqueue_dma source(%arg17 : memref<158x16xf32, #tpu.memory_space<vmem>>) target(%dma_start3A_80 : memref<158x16xf32, #tpu.memory_space<vmem_shared>>) target_semaphore(%run_scoped3A_77 : memref<!tpu.dma_semaphore, #tpu.memory_space<semaphore_mem>>)
      %dma_wait3A_81 = arith.constant 0 : i32
      %dma_wait3A_82 = tpu.memref_slice %arg9[%add3A_53, %dma_wait3A_81] : memref<10112x16xf32, #tpu.memory_space<vmem_shared>> -> memref<158x16xf32, #tpu.memory_space<vmem_shared>>
      %dma_wait3A_83 = arith.constant 0 : i32
      %dma_wait3A_84 = tpu.memref_slice %arg9[%add3A_53, %dma_wait3A_83] : memref<10112x16xf32, #tpu.memory_space<vmem_shared>> -> memref<158x16xf32, #tpu.memory_space<vmem_shared>>
      tpu.wait_dma2 semaphore(%run_scoped3A_77 : memref<!tpu.dma_semaphore, #tpu.memory_space<semaphore_mem>>) src(%arg17 : memref<158x16xf32, #tpu.memory_space<vmem>>) dst(%dma_wait3A_84 : memref<158x16xf32, #tpu.memory_space<vmem_shared>>)
      tpu.yield
    }) : () -> ()
    %add3A_54 = arith.constant 316 : i32
    %add3A_55 = arith.addi %mul3A_0, %add3A_54 : i32
    "tpu.region"() ({
      %run_scoped3A_77 = tpu.sem_alloc : memref<!tpu.dma_semaphore, #tpu.memory_space<semaphore_mem>>
      %dma_start3A = arith.constant 0 : i32
      %dma_start3A_78 = tpu.memref_slice %arg9[%add3A_55, %dma_start3A] : memref<10112x16xf32, #tpu.memory_space<vmem_shared>> -> memref<158x16xf32, #tpu.memory_space<vmem_shared>>
      %dma_start3A_79 = arith.constant 0 : i32
      %dma_start3A_80 = tpu.memref_slice %arg9[%add3A_55, %dma_start3A_79] : memref<10112x16xf32, #tpu.memory_space<vmem_shared>> -> memref<158x16xf32, #tpu.memory_space<vmem_shared>>
      tpu.enqueue_dma source(%arg17 : memref<158x16xf32, #tpu.memory_space<vmem>>) target(%dma_start3A_80 : memref<158x16xf32, #tpu.memory_space<vmem_shared>>) target_semaphore(%run_scoped3A_77 : memref<!tpu.dma_semaphore, #tpu.memory_space<semaphore_mem>>)
      %dma_wait3A_81 = arith.constant 0 : i32
      %dma_wait3A_82 = tpu.memref_slice %arg9[%add3A_55, %dma_wait3A_81] : memref<10112x16xf32, #tpu.memory_space<vmem_shared>> -> memref<158x16xf32, #tpu.memory_space<vmem_shared>>
      %dma_wait3A_83 = arith.constant 0 : i32
      %dma_wait3A_84 = tpu.memref_slice %arg9[%add3A_55, %dma_wait3A_83] : memref<10112x16xf32, #tpu.memory_space<vmem_shared>> -> memref<158x16xf32, #tpu.memory_space<vmem_shared>>
      tpu.wait_dma2 semaphore(%run_scoped3A_77 : memref<!tpu.dma_semaphore, #tpu.memory_space<semaphore_mem>>) src(%arg17 : memref<158x16xf32, #tpu.memory_space<vmem>>) dst(%dma_wait3A_84 : memref<158x16xf32, #tpu.memory_space<vmem_shared>>)
      tpu.yield
    }) : () -> ()
    %add3A_56 = arith.constant 474 : i32
    %add3A_57 = arith.addi %mul3A_0, %add3A_56 : i32
    "tpu.region"() ({
      %run_scoped3A_77 = tpu.sem_alloc : memref<!tpu.dma_semaphore, #tpu.memory_space<semaphore_mem>>
      %dma_start3A = arith.constant 0 : i32
      %dma_start3A_78 = tpu.memref_slice %arg9[%add3A_57, %dma_start3A] : memref<10112x16xf32, #tpu.memory_space<vmem_shared>> -> memref<158x16xf32, #tpu.memory_space<vmem_shared>>
      %dma_start3A_79 = arith.constant 0 : i32
      %dma_start3A_80 = tpu.memref_slice %arg9[%add3A_57, %dma_start3A_79] : memref<10112x16xf32, #tpu.memory_space<vmem_shared>> -> memref<158x16xf32, #tpu.memory_space<vmem_shared>>
      tpu.enqueue_dma source(%arg17 : memref<158x16xf32, #tpu.memory_space<vmem>>) target(%dma_start3A_80 : memref<158x16xf32, #tpu.memory_space<vmem_shared>>) target_semaphore(%run_scoped3A_77 : memref<!tpu.dma_semaphore, #tpu.memory_space<semaphore_mem>>)
      %dma_wait3A_81 = arith.constant 0 : i32
      %dma_wait3A_82 = tpu.memref_slice %arg9[%add3A_57, %dma_wait3A_81] : memref<10112x16xf32, #tpu.memory_space<vmem_shared>> -> memref<158x16xf32, #tpu.memory_space<vmem_shared>>
      %dma_wait3A_83 = arith.constant 0 : i32
      %dma_wait3A_84 = tpu.memref_slice %arg9[%add3A_57, %dma_wait3A_83] : memref<10112x16xf32, #tpu.memory_space<vmem_shared>> -> memref<158x16xf32, #tpu.memory_space<vmem_shared>>
      tpu.wait_dma2 semaphore(%run_scoped3A_77 : memref<!tpu.dma_semaphore, #tpu.memory_space<semaphore_mem>>) src(%arg17 : memref<158x16xf32, #tpu.memory_space<vmem>>) dst(%dma_wait3A_84 : memref<158x16xf32, #tpu.memory_space<vmem_shared>>)
      tpu.yield
    }) : () -> ()
    "tpu.region"() ({
      %run_scoped3A_77 = tpu.sem_alloc : memref<!tpu.dma_semaphore, #tpu.memory_space<semaphore_mem>>
      %dma_start3A = arith.constant 0 : i32
      %dma_start3A_78 = tpu.memref_slice %arg8[%mul3A_0, %dma_start3A] : memref<10112x16xf32, #tpu.memory_space<vmem_shared>> -> memref<632x16xf32, #tpu.memory_space<vmem_shared>>
      %dma_start3A_79 = arith.constant 0 : i32
      %dma_start3A_80 = tpu.memref_slice %arg8[%mul3A_0, %dma_start3A_79] : memref<10112x16xf32, #tpu.memory_space<vmem_shared>> -> memref<632x16xf32, #tpu.memory_space<vmem_shared>>
      tpu.enqueue_dma source(%arg13 : memref<632x16xf32, #tpu.memory_space<vmem>>) target(%dma_start3A_80 : memref<632x16xf32, #tpu.memory_space<vmem_shared>>) target_semaphore(%run_scoped3A_77 : memref<!tpu.dma_semaphore, #tpu.memory_space<semaphore_mem>>)
      %dma_wait3A_81 = arith.constant 0 : i32
      %dma_wait3A_82 = tpu.memref_slice %arg8[%mul3A_0, %dma_wait3A_81] : memref<10112x16xf32, #tpu.memory_space<vmem_shared>> -> memref<632x16xf32, #tpu.memory_space<vmem_shared>>
      %dma_wait3A_83 = arith.constant 0 : i32
      %dma_wait3A_84 = tpu.memref_slice %arg8[%mul3A_0, %dma_wait3A_83] : memref<10112x16xf32, #tpu.memory_space<vmem_shared>> -> memref<632x16xf32, #tpu.memory_space<vmem_shared>>
      tpu.wait_dma2 semaphore(%run_scoped3A_77 : memref<!tpu.dma_semaphore, #tpu.memory_space<semaphore_mem>>) src(%arg13 : memref<632x16xf32, #tpu.memory_space<vmem>>) dst(%dma_wait3A_84 : memref<632x16xf32, #tpu.memory_space<vmem_shared>>)
      tpu.yield
    }) : () -> ()
    %barrier3A_58 = arith.constant 0 : index
    tpu.barrier barrier_id(%barrier3A_58)
    %scan3A_59 = arith.constant 0 : i32
    %scan3A_60 = arith.constant 10 : i32
    %scan3A_61 = arith.addi %scan3A_59, %scan3A_60 : i32
    %scan3A_62 = arith.constant 1 : i32
    scf.for %scan3A_77 = %scan3A_59 to %scan3A_61 step %scan3A_62  : i32 {
      %mul3A_78 = arith.constant 1 : i32
      %mul3A_79 = arith.muli %scan3A_77, %mul3A_78 : i32
      %add3A_80 = arith.constant 0 : i32
      %add3A_81 = arith.addi %add3A_80, %mul3A_79 : i32
      %dma_start3A = arith.constant 0 : i32
      %dma_start3A_82 = arith.constant 0 : i32
      %dma_start3A_83 = arith.constant 0 : i32
      %dma_start3A_84 = tpu.memref_slice %arg12[%dma_start3A_82, %dma_start3A_83] : memref<1536x16xf32, #tpu.memory_space<vmem>> -> memref<512x16xf32, #tpu.memory_space<vmem>>
      %dma_start3A_85 = arith.constant 0 : i32
      %dma_start3A_86 = tpu.memref_slice %arg10[%dma_start3A, %dma_start3A_85] : memref<40x512xi32, #tpu.memory_space<vmem>> -> memref<1x512xi32, #tpu.memory_space<vmem>>
      %dma_start3A_87 = tpu.memref_squeeze %dma_start3A_86 : memref<1x512xi32, #tpu.memory_space<vmem>> -> memref<512xi32, #tpu.memory_space<vmem>>
      %dma_start3A_88 = arith.constant 0 : i32
      %dma_start3A_89 = arith.constant 0 : i32
      %dma_start3A_90 = tpu.memref_slice %arg8[%dma_start3A_88, %dma_start3A_89] : memref<10112x16xf32, #tpu.memory_space<vmem_shared>> -> memref<10112x16xf32, #tpu.memory_space<vmem_shared>>
      tpu.enqueue_indirect_dma source(%dma_start3A_90 : memref<10112x16xf32, #tpu.memory_space<vmem_shared>>) target(%dma_start3A_84 : memref<512x16xf32, #tpu.memory_space<vmem>>) offsets(%dma_start3A_87 : memref<512xi32, #tpu.memory_space<vmem>>) semaphore(%arg18 : memref<!tpu.dma_semaphore, #tpu.memory_space<semaphore_mem>>)
      %dma_start3A_91 = arith.constant 1 : i32
      %dma_start3A_92 = arith.constant 512 : i32
      %dma_start3A_93 = arith.constant 0 : i32
      %dma_start3A_94 = tpu.memref_slice %arg12[%dma_start3A_92, %dma_start3A_93] : memref<1536x16xf32, #tpu.memory_space<vmem>> -> memref<512x16xf32, #tpu.memory_space<vmem>>
      %dma_start3A_95 = arith.constant 0 : i32
      %dma_start3A_96 = tpu.memref_slice %arg10[%dma_start3A_91, %dma_start3A_95] : memref<40x512xi32, #tpu.memory_space<vmem>> -> memref<1x512xi32, #tpu.memory_space<vmem>>
      %dma_start3A_97 = tpu.memref_squeeze %dma_start3A_96 : memref<1x512xi32, #tpu.memory_space<vmem>> -> memref<512xi32, #tpu.memory_space<vmem>>
      %dma_start3A_98 = arith.constant 0 : i32
      %dma_start3A_99 = arith.constant 0 : i32
      %dma_start3A_100 = tpu.memref_slice %arg8[%dma_start3A_98, %dma_start3A_99] : memref<10112x16xf32, #tpu.memory_space<vmem_shared>> -> memref<10112x16xf32, #tpu.memory_space<vmem_shared>>
      tpu.enqueue_indirect_dma source(%dma_start3A_100 : memref<10112x16xf32, #tpu.memory_space<vmem_shared>>) target(%dma_start3A_94 : memref<512x16xf32, #tpu.memory_space<vmem>>) offsets(%dma_start3A_97 : memref<512xi32, #tpu.memory_space<vmem>>) semaphore(%arg19 : memref<!tpu.dma_semaphore, #tpu.memory_space<semaphore_mem>>)
      %scan3A_101 = arith.constant 0 : i32
      %scan3A_102 = arith.constant 13 : i32
      %scan3A_103 = arith.addi %scan3A_101, %scan3A_102 : i32
      %scan3A_104 = arith.constant 1 : i32
      scf.for %scan3A_152 = %scan3A_101 to %scan3A_103 step %scan3A_104  : i32 {
        %mul3A_153 = arith.constant 3 : i32
        %mul3A_154 = arith.muli %scan3A_152, %mul3A_153 : i32
        %add3A_155 = arith.constant 0 : i32
        %add3A_156 = arith.addi %add3A_155, %mul3A_154 : i32
        %add3A_157 = arith.constant 0 : i32
        %add3A_158 = arith.addi %add3A_156, %add3A_157 : i32
        %dma_wait3A_159 = arith.constant 0 : i32
        %dma_wait3A_160 = arith.constant 0 : i32
        %dma_wait3A_161 = tpu.memref_slice %arg12[%dma_wait3A_159, %dma_wait3A_160] : memref<1536x16xf32, #tpu.memory_space<vmem>> -> memref<512x16xf32, #tpu.memory_space<vmem>>
        %dma_wait3A_162 = arith.constant 0 : i32
        %dma_wait3A_163 = tpu.memref_slice %arg10[%add3A_158, %dma_wait3A_162] : memref<40x512xi32, #tpu.memory_space<vmem>> -> memref<1x512xi32, #tpu.memory_space<vmem>>
        %dma_wait3A_164 = tpu.memref_squeeze %dma_wait3A_163 : memref<1x512xi32, #tpu.memory_space<vmem>> -> memref<512xi32, #tpu.memory_space<vmem>>
        %dma_wait3A_165 = arith.constant 0 : i32
        %dma_wait3A_166 = arith.constant 0 : i32
        %dma_wait3A_167 = tpu.memref_slice %arg8[%dma_wait3A_165, %dma_wait3A_166] : memref<10112x16xf32, #tpu.memory_space<vmem_shared>> -> memref<10112x16xf32, #tpu.memory_space<vmem_shared>>
        tpu.wait_indirect_dma semaphore(%arg18 : memref<!tpu.dma_semaphore, #tpu.memory_space<semaphore_mem>>) src(%dma_wait3A_167 : memref<10112x16xf32, #tpu.memory_space<vmem_shared>>) dst(%dma_wait3A_161 : memref<512x16xf32, #tpu.memory_space<vmem>>)
        %dma_start3A_168 = arith.constant 0 : i32
        %dma_start3A_169 = arith.constant 0 : i32
        %dma_start3A_170 = tpu.memref_slice %arg12[%dma_start3A_168, %dma_start3A_169] : memref<1536x16xf32, #tpu.memory_space<vmem>> -> memref<512x16xf32, #tpu.memory_space<vmem>>
        %dma_start3A_171 = arith.constant 0 : i32
        %dma_start3A_172 = tpu.memref_slice %arg11[%add3A_158, %dma_start3A_171] : memref<40x512xi32, #tpu.memory_space<vmem>> -> memref<1x512xi32, #tpu.memory_space<vmem>>
        %dma_start3A_173 = tpu.memref_squeeze %dma_start3A_172 : memref<1x512xi32, #tpu.memory_space<vmem>> -> memref<512xi32, #tpu.memory_space<vmem>>
        %dma_start3A_174 = arith.constant 0 : i32
        %dma_start3A_175 = arith.constant 0 : i32
        %dma_start3A_176 = tpu.memref_slice %arg9[%dma_start3A_174, %dma_start3A_175] : memref<10112x16xf32, #tpu.memory_space<vmem_shared>> -> memref<10112x16xf32, #tpu.memory_space<vmem_shared>>
        tpu.enqueue_indirect_dma source(%dma_start3A_170 : memref<512x16xf32, #tpu.memory_space<vmem>>) target(%dma_start3A_176 : memref<10112x16xf32, #tpu.memory_space<vmem_shared>>) offsets(%dma_start3A_173 : memref<512xi32, #tpu.memory_space<vmem>>) semaphore(%arg21 : memref<!tpu.dma_semaphore, #tpu.memory_space<semaphore_mem>>) {add = true}
        %gt3A = arith.constant 0 : i32
        %gt3A_177 = arith.cmpi sgt, %add3A_156, %gt3A : i32
        %convert_element_type3A_178 = arith.extui %gt3A_177 : i1 to i32
        %cond3A_179 = arith.constant 0 : i32
        %cond3A_180 = arith.cmpi ne, %convert_element_type3A_178, %cond3A_179 : i32
        scf.if %cond3A_180 {
          %sub3A = arith.constant 1 : i32
          %sub3A_246 = arith.subi %add3A_158, %sub3A : i32
          %dma_wait3A_247 = arith.constant 1024 : i32
          %dma_wait3A_248 = arith.constant 0 : i32
          %dma_wait3A_249 = tpu.memref_slice %arg12[%dma_wait3A_247, %dma_wait3A_248] : memref<1536x16xf32, #tpu.memory_space<vmem>> -> memref<512x16xf32, #tpu.memory_space<vmem>>
          %dma_wait3A_250 = arith.constant 0 : i32
          %dma_wait3A_251 = tpu.memref_slice %arg11[%sub3A_246, %dma_wait3A_250] : memref<40x512xi32, #tpu.memory_space<vmem>> -> memref<1x512xi32, #tpu.memory_space<vmem>>
          %dma_wait3A_252 = tpu.memref_squeeze %dma_wait3A_251 : memref<1x512xi32, #tpu.memory_space<vmem>> -> memref<512xi32, #tpu.memory_space<vmem>>
          %dma_wait3A_253 = arith.constant 0 : i32
          %dma_wait3A_254 = arith.constant 0 : i32
          %dma_wait3A_255 = tpu.memref_slice %arg9[%dma_wait3A_253, %dma_wait3A_254] : memref<10112x16xf32, #tpu.memory_space<vmem_shared>> -> memref<10112x16xf32, #tpu.memory_space<vmem_shared>>
          tpu.wait_indirect_dma semaphore(%arg23 : memref<!tpu.dma_semaphore, #tpu.memory_space<semaphore_mem>>) src(%dma_wait3A_249 : memref<512x16xf32, #tpu.memory_space<vmem>>) dst(%dma_wait3A_255 : memref<10112x16xf32, #tpu.memory_space<vmem_shared>>)
        } else {
        }
        %add3A_181 = arith.constant 2 : i32
        %add3A_182 = arith.addi %add3A_158, %add3A_181 : i32
        %dma_start3A_183 = arith.constant 1024 : i32
        %dma_start3A_184 = arith.constant 0 : i32
        %dma_start3A_185 = tpu.memref_slice %arg12[%dma_start3A_183, %dma_start3A_184] : memref<1536x16xf32, #tpu.memory_space<vmem>> -> memref<512x16xf32, #tpu.memory_space<vmem>>
        %dma_start3A_186 = arith.constant 0 : i32
        %dma_start3A_187 = tpu.memref_slice %arg10[%add3A_182, %dma_start3A_186] : memref<40x512xi32, #tpu.memory_space<vmem>> -> memref<1x512xi32, #tpu.memory_space<vmem>>
        %dma_start3A_188 = tpu.memref_squeeze %dma_start3A_187 : memref<1x512xi32, #tpu.memory_space<vmem>> -> memref<512xi32, #tpu.memory_space<vmem>>
        %dma_start3A_189 = arith.constant 0 : i32
        %dma_start3A_190 = arith.constant 0 : i32
        %dma_start3A_191 = tpu.memref_slice %arg8[%dma_start3A_189, %dma_start3A_190] : memref<10112x16xf32, #tpu.memory_space<vmem_shared>> -> memref<10112x16xf32, #tpu.memory_space<vmem_shared>>
        tpu.enqueue_indirect_dma source(%dma_start3A_191 : memref<10112x16xf32, #tpu.memory_space<vmem_shared>>) target(%dma_start3A_185 : memref<512x16xf32, #tpu.memory_space<vmem>>) offsets(%dma_start3A_188 : memref<512xi32, #tpu.memory_space<vmem>>) semaphore(%arg20 : memref<!tpu.dma_semaphore, #tpu.memory_space<semaphore_mem>>)
        %add3A_192 = arith.constant 1 : i32
        %add3A_193 = arith.addi %add3A_156, %add3A_192 : i32
        %dma_wait3A_194 = arith.constant 512 : i32
        %dma_wait3A_195 = arith.constant 0 : i32
        %dma_wait3A_196 = tpu.memref_slice %arg12[%dma_wait3A_194, %dma_wait3A_195] : memref<1536x16xf32, #tpu.memory_space<vmem>> -> memref<512x16xf32, #tpu.memory_space<vmem>>
        %dma_wait3A_197 = arith.constant 0 : i32
        %dma_wait3A_198 = tpu.memref_slice %arg10[%add3A_193, %dma_wait3A_197] : memref<40x512xi32, #tpu.memory_space<vmem>> -> memref<1x512xi32, #tpu.memory_space<vmem>>
        %dma_wait3A_199 = tpu.memref_squeeze %dma_wait3A_198 : memref<1x512xi32, #tpu.memory_space<vmem>> -> memref<512xi32, #tpu.memory_space<vmem>>
        %dma_wait3A_200 = arith.constant 0 : i32
        %dma_wait3A_201 = arith.constant 0 : i32
        %dma_wait3A_202 = tpu.memref_slice %arg8[%dma_wait3A_200, %dma_wait3A_201] : memref<10112x16xf32, #tpu.memory_space<vmem_shared>> -> memref<10112x16xf32, #tpu.memory_space<vmem_shared>>
        tpu.wait_indirect_dma semaphore(%arg19 : memref<!tpu.dma_semaphore, #tpu.memory_space<semaphore_mem>>) src(%dma_wait3A_202 : memref<10112x16xf32, #tpu.memory_space<vmem_shared>>) dst(%dma_wait3A_196 : memref<512x16xf32, #tpu.memory_space<vmem>>)
        %dma_start3A_203 = arith.constant 512 : i32
        %dma_start3A_204 = arith.constant 0 : i32
        %dma_start3A_205 = tpu.memref_slice %arg12[%dma_start3A_203, %dma_start3A_204] : memref<1536x16xf32, #tpu.memory_space<vmem>> -> memref<512x16xf32, #tpu.memory_space<vmem>>
        %dma_start3A_206 = arith.constant 0 : i32
        %dma_start3A_207 = tpu.memref_slice %arg11[%add3A_193, %dma_start3A_206] : memref<40x512xi32, #tpu.memory_space<vmem>> -> memref<1x512xi32, #tpu.memory_space<vmem>>
        %dma_start3A_208 = tpu.memref_squeeze %dma_start3A_207 : memref<1x512xi32, #tpu.memory_space<vmem>> -> memref<512xi32, #tpu.memory_space<vmem>>
        %dma_start3A_209 = arith.constant 0 : i32
        %dma_start3A_210 = arith.constant 0 : i32
        %dma_start3A_211 = tpu.memref_slice %arg9[%dma_start3A_209, %dma_start3A_210] : memref<10112x16xf32, #tpu.memory_space<vmem_shared>> -> memref<10112x16xf32, #tpu.memory_space<vmem_shared>>
        tpu.enqueue_indirect_dma source(%dma_start3A_205 : memref<512x16xf32, #tpu.memory_space<vmem>>) target(%dma_start3A_211 : memref<10112x16xf32, #tpu.memory_space<vmem_shared>>) offsets(%dma_start3A_208 : memref<512xi32, #tpu.memory_space<vmem>>) semaphore(%arg22 : memref<!tpu.dma_semaphore, #tpu.memory_space<semaphore_mem>>) {add = true}
        %add3A_212 = arith.constant 2 : i32
        %add3A_213 = arith.addi %add3A_193, %add3A_212 : i32
        %lt3A_214 = arith.constant 40 : i32
        %lt3A_215 = arith.cmpi slt, %add3A_213, %lt3A_214 : i32
        %convert_element_type3A_216 = arith.extui %lt3A_215 : i1 to i32
        %cond3A_217 = arith.constant 0 : i32
        %cond3A_218 = arith.cmpi ne, %convert_element_type3A_216, %cond3A_217 : i32
        scf.if %cond3A_218 {
          %sub3A = arith.constant 1 : i32
          %sub3A_246 = arith.subi %add3A_193, %sub3A : i32
          %dma_wait3A_247 = arith.constant 0 : i32
          %dma_wait3A_248 = arith.constant 0 : i32
          %dma_wait3A_249 = tpu.memref_slice %arg12[%dma_wait3A_247, %dma_wait3A_248] : memref<1536x16xf32, #tpu.memory_space<vmem>> -> memref<512x16xf32, #tpu.memory_space<vmem>>
          %dma_wait3A_250 = arith.constant 0 : i32
          %dma_wait3A_251 = tpu.memref_slice %arg11[%sub3A_246, %dma_wait3A_250] : memref<40x512xi32, #tpu.memory_space<vmem>> -> memref<1x512xi32, #tpu.memory_space<vmem>>
          %dma_wait3A_252 = tpu.memref_squeeze %dma_wait3A_251 : memref<1x512xi32, #tpu.memory_space<vmem>> -> memref<512xi32, #tpu.memory_space<vmem>>
          %dma_wait3A_253 = arith.constant 0 : i32
          %dma_wait3A_254 = arith.constant 0 : i32
          %dma_wait3A_255 = tpu.memref_slice %arg9[%dma_wait3A_253, %dma_wait3A_254] : memref<10112x16xf32, #tpu.memory_space<vmem_shared>> -> memref<10112x16xf32, #tpu.memory_space<vmem_shared>>
          tpu.wait_indirect_dma semaphore(%arg21 : memref<!tpu.dma_semaphore, #tpu.memory_space<semaphore_mem>>) src(%dma_wait3A_249 : memref<512x16xf32, #tpu.memory_space<vmem>>) dst(%dma_wait3A_255 : memref<10112x16xf32, #tpu.memory_space<vmem_shared>>)
          %add3A_256 = arith.constant 2 : i32
          %add3A_257 = arith.addi %add3A_193, %add3A_256 : i32
          %dma_start3A_258 = arith.constant 0 : i32
          %dma_start3A_259 = arith.constant 0 : i32
          %dma_start3A_260 = tpu.memref_slice %arg12[%dma_start3A_258, %dma_start3A_259] : memref<1536x16xf32, #tpu.memory_space<vmem>> -> memref<512x16xf32, #tpu.memory_space<vmem>>
          %dma_start3A_261 = arith.constant 0 : i32
          %dma_start3A_262 = tpu.memref_slice %arg10[%add3A_257, %dma_start3A_261] : memref<40x512xi32, #tpu.memory_space<vmem>> -> memref<1x512xi32, #tpu.memory_space<vmem>>
          %dma_start3A_263 = tpu.memref_squeeze %dma_start3A_262 : memref<1x512xi32, #tpu.memory_space<vmem>> -> memref<512xi32, #tpu.memory_space<vmem>>
          %dma_start3A_264 = arith.constant 0 : i32
          %dma_start3A_265 = arith.constant 0 : i32
          %dma_start3A_266 = tpu.memref_slice %arg8[%dma_start3A_264, %dma_start3A_265] : memref<10112x16xf32, #tpu.memory_space<vmem_shared>> -> memref<10112x16xf32, #tpu.memory_space<vmem_shared>>
          tpu.enqueue_indirect_dma source(%dma_start3A_266 : memref<10112x16xf32, #tpu.memory_space<vmem_shared>>) target(%dma_start3A_260 : memref<512x16xf32, #tpu.memory_space<vmem>>) offsets(%dma_start3A_263 : memref<512xi32, #tpu.memory_space<vmem>>) semaphore(%arg18 : memref<!tpu.dma_semaphore, #tpu.memory_space<semaphore_mem>>)
        } else {
        }
        %add3A_219 = arith.constant 2 : i32
        %add3A_220 = arith.addi %add3A_156, %add3A_219 : i32
        %dma_wait3A_221 = arith.constant 1024 : i32
        %dma_wait3A_222 = arith.constant 0 : i32
        %dma_wait3A_223 = tpu.memref_slice %arg12[%dma_wait3A_221, %dma_wait3A_222] : memref<1536x16xf32, #tpu.memory_space<vmem>> -> memref<512x16xf32, #tpu.memory_space<vmem>>
        %dma_wait3A_224 = arith.constant 0 : i32
        %dma_wait3A_225 = tpu.memref_slice %arg10[%add3A_220, %dma_wait3A_224] : memref<40x512xi32, #tpu.memory_space<vmem>> -> memref<1x512xi32, #tpu.memory_space<vmem>>
        %dma_wait3A_226 = tpu.memref_squeeze %dma_wait3A_225 : memref<1x512xi32, #tpu.memory_space<vmem>> -> memref<512xi32, #tpu.memory_space<vmem>>
        %dma_wait3A_227 = arith.constant 0 : i32
        %dma_wait3A_228 = arith.constant 0 : i32
        %dma_wait3A_229 = tpu.memref_slice %arg8[%dma_wait3A_227, %dma_wait3A_228] : memref<10112x16xf32, #tpu.memory_space<vmem_shared>> -> memref<10112x16xf32, #tpu.memory_space<vmem_shared>>
        tpu.wait_indirect_dma semaphore(%arg20 : memref<!tpu.dma_semaphore, #tpu.memory_space<semaphore_mem>>) src(%dma_wait3A_229 : memref<10112x16xf32, #tpu.memory_space<vmem_shared>>) dst(%dma_wait3A_223 : memref<512x16xf32, #tpu.memory_space<vmem>>)
        %dma_start3A_230 = arith.constant 1024 : i32
        %dma_start3A_231 = arith.constant 0 : i32
        %dma_start3A_232 = tpu.memref_slice %arg12[%dma_start3A_230, %dma_start3A_231] : memref<1536x16xf32, #tpu.memory_space<vmem>> -> memref<512x16xf32, #tpu.memory_space<vmem>>
        %dma_start3A_233 = arith.constant 0 : i32
        %dma_start3A_234 = tpu.memref_slice %arg11[%add3A_220, %dma_start3A_233] : memref<40x512xi32, #tpu.memory_space<vmem>> -> memref<1x512xi32, #tpu.memory_space<vmem>>
        %dma_start3A_235 = tpu.memref_squeeze %dma_start3A_234 : memref<1x512xi32, #tpu.memory_space<vmem>> -> memref<512xi32, #tpu.memory_space<vmem>>
        %dma_start3A_236 = arith.constant 0 : i32
        %dma_start3A_237 = arith.constant 0 : i32
        %dma_start3A_238 = tpu.memref_slice %arg9[%dma_start3A_236, %dma_start3A_237] : memref<10112x16xf32, #tpu.memory_space<vmem_shared>> -> memref<10112x16xf32, #tpu.memory_space<vmem_shared>>
        tpu.enqueue_indirect_dma source(%dma_start3A_232 : memref<512x16xf32, #tpu.memory_space<vmem>>) target(%dma_start3A_238 : memref<10112x16xf32, #tpu.memory_space<vmem_shared>>) offsets(%dma_start3A_235 : memref<512xi32, #tpu.memory_space<vmem>>) semaphore(%arg23 : memref<!tpu.dma_semaphore, #tpu.memory_space<semaphore_mem>>) {add = true}
        %add3A_239 = arith.constant 2 : i32
        %add3A_240 = arith.addi %add3A_220, %add3A_239 : i32
        %lt3A_241 = arith.constant 40 : i32
        %lt3A_242 = arith.cmpi slt, %add3A_240, %lt3A_241 : i32
        %convert_element_type3A_243 = arith.extui %lt3A_242 : i1 to i32
        %cond3A_244 = arith.constant 0 : i32
        %cond3A_245 = arith.cmpi ne, %convert_element_type3A_243, %cond3A_244 : i32
        scf.if %cond3A_245 {
          %sub3A = arith.constant 1 : i32
          %sub3A_246 = arith.subi %add3A_220, %sub3A : i32
          %dma_wait3A_247 = arith.constant 512 : i32
          %dma_wait3A_248 = arith.constant 0 : i32
          %dma_wait3A_249 = tpu.memref_slice %arg12[%dma_wait3A_247, %dma_wait3A_248] : memref<1536x16xf32, #tpu.memory_space<vmem>> -> memref<512x16xf32, #tpu.memory_space<vmem>>
          %dma_wait3A_250 = arith.constant 0 : i32
          %dma_wait3A_251 = tpu.memref_slice %arg11[%sub3A_246, %dma_wait3A_250] : memref<40x512xi32, #tpu.memory_space<vmem>> -> memref<1x512xi32, #tpu.memory_space<vmem>>
          %dma_wait3A_252 = tpu.memref_squeeze %dma_wait3A_251 : memref<1x512xi32, #tpu.memory_space<vmem>> -> memref<512xi32, #tpu.memory_space<vmem>>
          %dma_wait3A_253 = arith.constant 0 : i32
          %dma_wait3A_254 = arith.constant 0 : i32
          %dma_wait3A_255 = tpu.memref_slice %arg9[%dma_wait3A_253, %dma_wait3A_254] : memref<10112x16xf32, #tpu.memory_space<vmem_shared>> -> memref<10112x16xf32, #tpu.memory_space<vmem_shared>>
          tpu.wait_indirect_dma semaphore(%arg22 : memref<!tpu.dma_semaphore, #tpu.memory_space<semaphore_mem>>) src(%dma_wait3A_249 : memref<512x16xf32, #tpu.memory_space<vmem>>) dst(%dma_wait3A_255 : memref<10112x16xf32, #tpu.memory_space<vmem_shared>>)
          %add3A_256 = arith.constant 2 : i32
          %add3A_257 = arith.addi %add3A_220, %add3A_256 : i32
          %dma_start3A_258 = arith.constant 512 : i32
          %dma_start3A_259 = arith.constant 0 : i32
          %dma_start3A_260 = tpu.memref_slice %arg12[%dma_start3A_258, %dma_start3A_259] : memref<1536x16xf32, #tpu.memory_space<vmem>> -> memref<512x16xf32, #tpu.memory_space<vmem>>
          %dma_start3A_261 = arith.constant 0 : i32
          %dma_start3A_262 = tpu.memref_slice %arg10[%add3A_257, %dma_start3A_261] : memref<40x512xi32, #tpu.memory_space<vmem>> -> memref<1x512xi32, #tpu.memory_space<vmem>>
          %dma_start3A_263 = tpu.memref_squeeze %dma_start3A_262 : memref<1x512xi32, #tpu.memory_space<vmem>> -> memref<512xi32, #tpu.memory_space<vmem>>
          %dma_start3A_264 = arith.constant 0 : i32
          %dma_start3A_265 = arith.constant 0 : i32
          %dma_start3A_266 = tpu.memref_slice %arg8[%dma_start3A_264, %dma_start3A_265] : memref<10112x16xf32, #tpu.memory_space<vmem_shared>> -> memref<10112x16xf32, #tpu.memory_space<vmem_shared>>
          tpu.enqueue_indirect_dma source(%dma_start3A_266 : memref<10112x16xf32, #tpu.memory_space<vmem_shared>>) target(%dma_start3A_260 : memref<512x16xf32, #tpu.memory_space<vmem>>) offsets(%dma_start3A_263 : memref<512xi32, #tpu.memory_space<vmem>>) semaphore(%arg19 : memref<!tpu.dma_semaphore, #tpu.memory_space<semaphore_mem>>)
        } else {
        }
      }
      %scan3A_105 = arith.constant 13 : i32
      %dma_wait3A_106 = arith.constant 37 : i32
      %dma_wait3A_107 = arith.constant 512 : i32
      %dma_wait3A_108 = arith.constant 0 : i32
      %dma_wait3A_109 = tpu.memref_slice %arg12[%dma_wait3A_107, %dma_wait3A_108] : memref<1536x16xf32, #tpu.memory_space<vmem>> -> memref<512x16xf32, #tpu.memory_space<vmem>>
      %dma_wait3A_110 = arith.constant 0 : i32
      %dma_wait3A_111 = tpu.memref_slice %arg11[%dma_wait3A_106, %dma_wait3A_110] : memref<40x512xi32, #tpu.memory_space<vmem>> -> memref<1x512xi32, #tpu.memory_space<vmem>>
      %dma_wait3A_112 = tpu.memref_squeeze %dma_wait3A_111 : memref<1x512xi32, #tpu.memory_space<vmem>> -> memref<512xi32, #tpu.memory_space<vmem>>
      %dma_wait3A_113 = arith.constant 0 : i32
      %dma_wait3A_114 = arith.constant 0 : i32
      %dma_wait3A_115 = tpu.memref_slice %arg9[%dma_wait3A_113, %dma_wait3A_114] : memref<10112x16xf32, #tpu.memory_space<vmem_shared>> -> memref<10112x16xf32, #tpu.memory_space<vmem_shared>>
      tpu.wait_indirect_dma semaphore(%arg22 : memref<!tpu.dma_semaphore, #tpu.memory_space<semaphore_mem>>) src(%dma_wait3A_109 : memref<512x16xf32, #tpu.memory_space<vmem>>) dst(%dma_wait3A_115 : memref<10112x16xf32, #tpu.memory_space<vmem_shared>>)
      %dma_wait3A_116 = arith.constant 38 : i32
      %dma_wait3A_117 = arith.constant 1024 : i32
      %dma_wait3A_118 = arith.constant 0 : i32
      %dma_wait3A_119 = tpu.memref_slice %arg12[%dma_wait3A_117, %dma_wait3A_118] : memref<1536x16xf32, #tpu.memory_space<vmem>> -> memref<512x16xf32, #tpu.memory_space<vmem>>
      %dma_wait3A_120 = arith.constant 0 : i32
      %dma_wait3A_121 = tpu.memref_slice %arg11[%dma_wait3A_116, %dma_wait3A_120] : memref<40x512xi32, #tpu.memory_space<vmem>> -> memref<1x512xi32, #tpu.memory_space<vmem>>
      %dma_wait3A_122 = tpu.memref_squeeze %dma_wait3A_121 : memref<1x512xi32, #tpu.memory_space<vmem>> -> memref<512xi32, #tpu.memory_space<vmem>>
      %dma_wait3A_123 = arith.constant 0 : i32
      %dma_wait3A_124 = arith.constant 0 : i32
      %dma_wait3A_125 = tpu.memref_slice %arg9[%dma_wait3A_123, %dma_wait3A_124] : memref<10112x16xf32, #tpu.memory_space<vmem_shared>> -> memref<10112x16xf32, #tpu.memory_space<vmem_shared>>
      tpu.wait_indirect_dma semaphore(%arg23 : memref<!tpu.dma_semaphore, #tpu.memory_space<semaphore_mem>>) src(%dma_wait3A_119 : memref<512x16xf32, #tpu.memory_space<vmem>>) dst(%dma_wait3A_125 : memref<10112x16xf32, #tpu.memory_space<vmem_shared>>)
      %dma_wait3A_126 = arith.constant 39 : i32
      %dma_wait3A_127 = arith.constant 0 : i32
      %dma_wait3A_128 = arith.constant 0 : i32
      %dma_wait3A_129 = tpu.memref_slice %arg12[%dma_wait3A_127, %dma_wait3A_128] : memref<1536x16xf32, #tpu.memory_space<vmem>> -> memref<512x16xf32, #tpu.memory_space<vmem>>
      %dma_wait3A_130 = arith.constant 0 : i32
      %dma_wait3A_131 = tpu.memref_slice %arg10[%dma_wait3A_126, %dma_wait3A_130] : memref<40x512xi32, #tpu.memory_space<vmem>> -> memref<1x512xi32, #tpu.memory_space<vmem>>
      %dma_wait3A_132 = tpu.memref_squeeze %dma_wait3A_131 : memref<1x512xi32, #tpu.memory_space<vmem>> -> memref<512xi32, #tpu.memory_space<vmem>>
      %dma_wait3A_133 = arith.constant 0 : i32
      %dma_wait3A_134 = arith.constant 0 : i32
      %dma_wait3A_135 = tpu.memref_slice %arg8[%dma_wait3A_133, %dma_wait3A_134] : memref<10112x16xf32, #tpu.memory_space<vmem_shared>> -> memref<10112x16xf32, #tpu.memory_space<vmem_shared>>
      tpu.wait_indirect_dma semaphore(%arg18 : memref<!tpu.dma_semaphore, #tpu.memory_space<semaphore_mem>>) src(%dma_wait3A_135 : memref<10112x16xf32, #tpu.memory_space<vmem_shared>>) dst(%dma_wait3A_129 : memref<512x16xf32, #tpu.memory_space<vmem>>)
      %run_scoped3A_136 = arith.constant 39 : i32
      "tpu.region"() ({
        %run_scoped3A_152 = tpu.sem_alloc : memref<!tpu.dma_semaphore, #tpu.memory_space<semaphore_mem>>
        %dma_start3A_153 = arith.constant 0 : i32
        %dma_start3A_154 = arith.constant 0 : i32
        %dma_start3A_155 = tpu.memref_slice %arg12[%dma_start3A_153, %dma_start3A_154] : memref<1536x16xf32, #tpu.memory_space<vmem>> -> memref<512x16xf32, #tpu.memory_space<vmem>>
        %dma_start3A_156 = arith.constant 0 : i32
        %dma_start3A_157 = tpu.memref_slice %arg11[%run_scoped3A_136, %dma_start3A_156] : memref<40x512xi32, #tpu.memory_space<vmem>> -> memref<1x512xi32, #tpu.memory_space<vmem>>
        %dma_start3A_158 = tpu.memref_squeeze %dma_start3A_157 : memref<1x512xi32, #tpu.memory_space<vmem>> -> memref<512xi32, #tpu.memory_space<vmem>>
        %dma_start3A_159 = arith.constant 0 : i32
        %dma_start3A_160 = arith.constant 0 : i32
        %dma_start3A_161 = tpu.memref_slice %arg9[%dma_start3A_159, %dma_start3A_160] : memref<10112x16xf32, #tpu.memory_space<vmem_shared>> -> memref<10112x16xf32, #tpu.memory_space<vmem_shared>>
        tpu.enqueue_indirect_dma source(%dma_start3A_155 : memref<512x16xf32, #tpu.memory_space<vmem>>) target(%dma_start3A_161 : memref<10112x16xf32, #tpu.memory_space<vmem_shared>>) offsets(%dma_start3A_158 : memref<512xi32, #tpu.memory_space<vmem>>) semaphore(%run_scoped3A_152 : memref<!tpu.dma_semaphore, #tpu.memory_space<semaphore_mem>>) {add = true}
        %dma_wait3A_162 = arith.constant 0 : i32
        %dma_wait3A_163 = arith.constant 0 : i32
        %dma_wait3A_164 = tpu.memref_slice %arg12[%dma_wait3A_162, %dma_wait3A_163] : memref<1536x16xf32, #tpu.memory_space<vmem>> -> memref<512x16xf32, #tpu.memory_space<vmem>>
        %dma_wait3A_165 = arith.constant 0 : i32
        %dma_wait3A_166 = tpu.memref_slice %arg11[%run_scoped3A_136, %dma_wait3A_165] : memref<40x512xi32, #tpu.memory_space<vmem>> -> memref<1x512xi32, #tpu.memory_space<vmem>>
        %dma_wait3A_167 = tpu.memref_squeeze %dma_wait3A_166 : memref<1x512xi32, #tpu.memory_space<vmem>> -> memref<512xi32, #tpu.memory_space<vmem>>
        %dma_wait3A_168 = arith.constant 0 : i32
        %dma_wait3A_169 = arith.constant 0 : i32
        %dma_wait3A_170 = tpu.memref_slice %arg9[%dma_wait3A_168, %dma_wait3A_169] : memref<10112x16xf32, #tpu.memory_space<vmem_shared>> -> memref<10112x16xf32, #tpu.memory_space<vmem_shared>>
        tpu.wait_indirect_dma semaphore(%run_scoped3A_152 : memref<!tpu.dma_semaphore, #tpu.memory_space<semaphore_mem>>) src(%dma_wait3A_164 : memref<512x16xf32, #tpu.memory_space<vmem>>) dst(%dma_wait3A_170 : memref<10112x16xf32, #tpu.memory_space<vmem_shared>>)
        tpu.yield
      }) : () -> ()
      %barrier3A_137 = arith.constant 0 : index
      tpu.barrier barrier_id(%barrier3A_137)
      "tpu.region"() ({
        %run_scoped3A_152 = tpu.sem_alloc : memref<!tpu.dma_semaphore, #tpu.memory_space<semaphore_mem>>
        %dma_start3A_153 = arith.constant 0 : i32
        %dma_start3A_154 = arith.constant 0 : i32
        %dma_start3A_155 = tpu.memref_slice %arg12[%dma_start3A_153, %dma_start3A_154] : memref<1536x16xf32, #tpu.memory_space<vmem>> -> memref<632x16xf32, #tpu.memory_space<vmem>>
        %dma_start3A_156 = arith.constant 0 : i32
        %dma_start3A_157 = tpu.memref_slice %arg9[%mul3A_0, %dma_start3A_156] : memref<10112x16xf32, #tpu.memory_space<vmem_shared>> -> memref<632x16xf32, #tpu.memory_space<vmem_shared>>
        %dma_start3A_158 = arith.constant 0 : i32
        %dma_start3A_159 = arith.constant 0 : i32
        %dma_start3A_160 = tpu.memref_slice %arg12[%dma_start3A_158, %dma_start3A_159] : memref<1536x16xf32, #tpu.memory_space<vmem>> -> memref<632x16xf32, #tpu.memory_space<vmem>>
        %dma_start3A_161 = arith.constant 0 : i32
        %dma_start3A_162 = tpu.memref_slice %arg9[%mul3A_0, %dma_start3A_161] : memref<10112x16xf32, #tpu.memory_space<vmem_shared>> -> memref<632x16xf32, #tpu.memory_space<vmem_shared>>
        tpu.enqueue_dma source(%dma_start3A_162 : memref<632x16xf32, #tpu.memory_space<vmem_shared>>) target(%dma_start3A_160 : memref<632x16xf32, #tpu.memory_space<vmem>>) target_semaphore(%run_scoped3A_152 : memref<!tpu.dma_semaphore, #tpu.memory_space<semaphore_mem>>)
        %dma_wait3A_163 = arith.constant 0 : i32
        %dma_wait3A_164 = arith.constant 0 : i32
        %dma_wait3A_165 = tpu.memref_slice %arg12[%dma_wait3A_163, %dma_wait3A_164] : memref<1536x16xf32, #tpu.memory_space<vmem>> -> memref<632x16xf32, #tpu.memory_space<vmem>>
        %dma_wait3A_166 = arith.constant 0 : i32
        %dma_wait3A_167 = tpu.memref_slice %arg9[%mul3A_0, %dma_wait3A_166] : memref<10112x16xf32, #tpu.memory_space<vmem_shared>> -> memref<632x16xf32, #tpu.memory_space<vmem_shared>>
        %dma_wait3A_168 = arith.constant 0 : i32
        %dma_wait3A_169 = arith.constant 0 : i32
        %dma_wait3A_170 = tpu.memref_slice %arg12[%dma_wait3A_168, %dma_wait3A_169] : memref<1536x16xf32, #tpu.memory_space<vmem>> -> memref<632x16xf32, #tpu.memory_space<vmem>>
        %dma_wait3A_171 = arith.constant 0 : i32
        %dma_wait3A_172 = tpu.memref_slice %arg9[%mul3A_0, %dma_wait3A_171] : memref<10112x16xf32, #tpu.memory_space<vmem_shared>> -> memref<632x16xf32, #tpu.memory_space<vmem_shared>>
        tpu.wait_dma2 semaphore(%run_scoped3A_152 : memref<!tpu.dma_semaphore, #tpu.memory_space<semaphore_mem>>) src(%dma_wait3A_172 : memref<632x16xf32, #tpu.memory_space<vmem_shared>>) dst(%dma_wait3A_170 : memref<632x16xf32, #tpu.memory_space<vmem>>)
        tpu.yield
      }) : () -> ()
      %add3A_138 = arith.constant 0 : i32
      %add3A_139 = arith.addi %mul3A_0, %add3A_138 : i32
      "tpu.region"() ({
        %run_scoped3A_152 = tpu.sem_alloc : memref<!tpu.dma_semaphore, #tpu.memory_space<semaphore_mem>>
        %dma_start3A_153 = arith.constant 0 : i32
        %dma_start3A_154 = tpu.memref_slice %arg9[%add3A_139, %dma_start3A_153] : memref<10112x16xf32, #tpu.memory_space<vmem_shared>> -> memref<158x16xf32, #tpu.memory_space<vmem_shared>>
        %dma_start3A_155 = arith.constant 0 : i32
        %dma_start3A_156 = tpu.memref_slice %arg9[%add3A_139, %dma_start3A_155] : memref<10112x16xf32, #tpu.memory_space<vmem_shared>> -> memref<158x16xf32, #tpu.memory_space<vmem_shared>>
        tpu.enqueue_dma source(%arg17 : memref<158x16xf32, #tpu.memory_space<vmem>>) target(%dma_start3A_156 : memref<158x16xf32, #tpu.memory_space<vmem_shared>>) target_semaphore(%run_scoped3A_152 : memref<!tpu.dma_semaphore, #tpu.memory_space<semaphore_mem>>)
        %dma_wait3A_157 = arith.constant 0 : i32
        %dma_wait3A_158 = tpu.memref_slice %arg9[%add3A_139, %dma_wait3A_157] : memref<10112x16xf32, #tpu.memory_space<vmem_shared>> -> memref<158x16xf32, #tpu.memory_space<vmem_shared>>
        %dma_wait3A_159 = arith.constant 0 : i32
        %dma_wait3A_160 = tpu.memref_slice %arg9[%add3A_139, %dma_wait3A_159] : memref<10112x16xf32, #tpu.memory_space<vmem_shared>> -> memref<158x16xf32, #tpu.memory_space<vmem_shared>>
        tpu.wait_dma2 semaphore(%run_scoped3A_152 : memref<!tpu.dma_semaphore, #tpu.memory_space<semaphore_mem>>) src(%arg17 : memref<158x16xf32, #tpu.memory_space<vmem>>) dst(%dma_wait3A_160 : memref<158x16xf32, #tpu.memory_space<vmem_shared>>)
        tpu.yield
      }) : () -> ()
      %add3A_140 = arith.constant 158 : i32
      %add3A_141 = arith.addi %mul3A_0, %add3A_140 : i32
      "tpu.region"() ({
        %run_scoped3A_152 = tpu.sem_alloc : memref<!tpu.dma_semaphore, #tpu.memory_space<semaphore_mem>>
        %dma_start3A_153 = arith.constant 0 : i32
        %dma_start3A_154 = tpu.memref_slice %arg9[%add3A_141, %dma_start3A_153] : memref<10112x16xf32, #tpu.memory_space<vmem_shared>> -> memref<158x16xf32, #tpu.memory_space<vmem_shared>>
        %dma_start3A_155 = arith.constant 0 : i32
        %dma_start3A_156 = tpu.memref_slice %arg9[%add3A_141, %dma_start3A_155] : memref<10112x16xf32, #tpu.memory_space<vmem_shared>> -> memref<158x16xf32, #tpu.memory_space<vmem_shared>>
        tpu.enqueue_dma source(%arg17 : memref<158x16xf32, #tpu.memory_space<vmem>>) target(%dma_start3A_156 : memref<158x16xf32, #tpu.memory_space<vmem_shared>>) target_semaphore(%run_scoped3A_152 : memref<!tpu.dma_semaphore, #tpu.memory_space<semaphore_mem>>)
        %dma_wait3A_157 = arith.constant 0 : i32
        %dma_wait3A_158 = tpu.memref_slice %arg9[%add3A_141, %dma_wait3A_157] : memref<10112x16xf32, #tpu.memory_space<vmem_shared>> -> memref<158x16xf32, #tpu.memory_space<vmem_shared>>
        %dma_wait3A_159 = arith.constant 0 : i32
        %dma_wait3A_160 = tpu.memref_slice %arg9[%add3A_141, %dma_wait3A_159] : memref<10112x16xf32, #tpu.memory_space<vmem_shared>> -> memref<158x16xf32, #tpu.memory_space<vmem_shared>>
        tpu.wait_dma2 semaphore(%run_scoped3A_152 : memref<!tpu.dma_semaphore, #tpu.memory_space<semaphore_mem>>) src(%arg17 : memref<158x16xf32, #tpu.memory_space<vmem>>) dst(%dma_wait3A_160 : memref<158x16xf32, #tpu.memory_space<vmem_shared>>)
        tpu.yield
      }) : () -> ()
      %add3A_142 = arith.constant 316 : i32
      %add3A_143 = arith.addi %mul3A_0, %add3A_142 : i32
      "tpu.region"() ({
        %run_scoped3A_152 = tpu.sem_alloc : memref<!tpu.dma_semaphore, #tpu.memory_space<semaphore_mem>>
        %dma_start3A_153 = arith.constant 0 : i32
        %dma_start3A_154 = tpu.memref_slice %arg9[%add3A_143, %dma_start3A_153] : memref<10112x16xf32, #tpu.memory_space<vmem_shared>> -> memref<158x16xf32, #tpu.memory_space<vmem_shared>>
        %dma_start3A_155 = arith.constant 0 : i32
        %dma_start3A_156 = tpu.memref_slice %arg9[%add3A_143, %dma_start3A_155] : memref<10112x16xf32, #tpu.memory_space<vmem_shared>> -> memref<158x16xf32, #tpu.memory_space<vmem_shared>>
        tpu.enqueue_dma source(%arg17 : memref<158x16xf32, #tpu.memory_space<vmem>>) target(%dma_start3A_156 : memref<158x16xf32, #tpu.memory_space<vmem_shared>>) target_semaphore(%run_scoped3A_152 : memref<!tpu.dma_semaphore, #tpu.memory_space<semaphore_mem>>)
        %dma_wait3A_157 = arith.constant 0 : i32
        %dma_wait3A_158 = tpu.memref_slice %arg9[%add3A_143, %dma_wait3A_157] : memref<10112x16xf32, #tpu.memory_space<vmem_shared>> -> memref<158x16xf32, #tpu.memory_space<vmem_shared>>
        %dma_wait3A_159 = arith.constant 0 : i32
        %dma_wait3A_160 = tpu.memref_slice %arg9[%add3A_143, %dma_wait3A_159] : memref<10112x16xf32, #tpu.memory_space<vmem_shared>> -> memref<158x16xf32, #tpu.memory_space<vmem_shared>>
        tpu.wait_dma2 semaphore(%run_scoped3A_152 : memref<!tpu.dma_semaphore, #tpu.memory_space<semaphore_mem>>) src(%arg17 : memref<158x16xf32, #tpu.memory_space<vmem>>) dst(%dma_wait3A_160 : memref<158x16xf32, #tpu.memory_space<vmem_shared>>)
        tpu.yield
      }) : () -> ()
      %add3A_144 = arith.constant 474 : i32
      %add3A_145 = arith.addi %mul3A_0, %add3A_144 : i32
      "tpu.region"() ({
        %run_scoped3A_152 = tpu.sem_alloc : memref<!tpu.dma_semaphore, #tpu.memory_space<semaphore_mem>>
        %dma_start3A_153 = arith.constant 0 : i32
        %dma_start3A_154 = tpu.memref_slice %arg9[%add3A_145, %dma_start3A_153] : memref<10112x16xf32, #tpu.memory_space<vmem_shared>> -> memref<158x16xf32, #tpu.memory_space<vmem_shared>>
        %dma_start3A_155 = arith.constant 0 : i32
        %dma_start3A_156 = tpu.memref_slice %arg9[%add3A_145, %dma_start3A_155] : memref<10112x16xf32, #tpu.memory_space<vmem_shared>> -> memref<158x16xf32, #tpu.memory_space<vmem_shared>>
        tpu.enqueue_dma source(%arg17 : memref<158x16xf32, #tpu.memory_space<vmem>>) target(%dma_start3A_156 : memref<158x16xf32, #tpu.memory_space<vmem_shared>>) target_semaphore(%run_scoped3A_152 : memref<!tpu.dma_semaphore, #tpu.memory_space<semaphore_mem>>)
        %dma_wait3A_157 = arith.constant 0 : i32
        %dma_wait3A_158 = tpu.memref_slice %arg9[%add3A_145, %dma_wait3A_157] : memref<10112x16xf32, #tpu.memory_space<vmem_shared>> -> memref<158x16xf32, #tpu.memory_space<vmem_shared>>
        %dma_wait3A_159 = arith.constant 0 : i32
        %dma_wait3A_160 = tpu.memref_slice %arg9[%add3A_145, %dma_wait3A_159] : memref<10112x16xf32, #tpu.memory_space<vmem_shared>> -> memref<158x16xf32, #tpu.memory_space<vmem_shared>>
        tpu.wait_dma2 semaphore(%run_scoped3A_152 : memref<!tpu.dma_semaphore, #tpu.memory_space<semaphore_mem>>) src(%arg17 : memref<158x16xf32, #tpu.memory_space<vmem>>) dst(%dma_wait3A_160 : memref<158x16xf32, #tpu.memory_space<vmem_shared>>)
        tpu.yield
      }) : () -> ()
      %scan3A_146 = arith.constant 0 : i32
      %scan3A_147 = arith.constant 632 : i32
      %scan3A_148 = arith.addi %scan3A_146, %scan3A_147 : i32
      %scan3A_149 = arith.constant 1 : i32
      scf.for %scan3A_152 = %scan3A_146 to %scan3A_148 step %scan3A_149  : i32 {
        %mul3A_153 = arith.constant 1 : i32
        %mul3A_154 = arith.muli %scan3A_152, %mul3A_153 : i32
        %add3A_155 = arith.constant 0 : i32
        %add3A_156 = arith.addi %add3A_155, %mul3A_154 : i32
        %get3A = arith.index_cast %add3A_156 : i32 to index
        %get3A_157 = arith.constant 0 : index
        %get3A_158 = tpu.vector_load %arg15[%get3A, %get3A_157] {strides = array<i32>} : memref<632x16xf32, #tpu.memory_space<vmem>>, vector<1x16xf32>,
        %get3A_159 = vector.shape_cast %get3A_158 : vector<1x16xf32> to vector<16xf32>
        %get3A_160 = arith.index_cast %add3A_156 : i32 to index
        %get3A_161 = arith.constant 0 : index
        %get3A_162 = tpu.vector_load %arg12[%get3A_160, %get3A_161] {strides = array<i32>} : memref<1536x16xf32, #tpu.memory_space<vmem>>, vector<1x16xf32>,
        %get3A_163 = vector.shape_cast %get3A_162 : vector<1x16xf32> to vector<16xf32>
        %get3A_164 = arith.index_cast %add3A_156 : i32 to index
        %get3A_165 = arith.constant 0 : index
        %get3A_166 = tpu.vector_load %arg13[%get3A_164, %get3A_165] {strides = array<i32>} : memref<632x16xf32, #tpu.memory_space<vmem>>, vector<1x16xf32>,
        %get3A_167 = vector.shape_cast %get3A_166 : vector<1x16xf32> to vector<16xf32>
        %add3A_168 = arith.addf %get3A_163, %get3A_167 : vector<16xf32>
        %mul3A_169 = arith.mulf %get3A_159, %add3A_168 : vector<16xf32>
        %get3A_170 = arith.index_cast %add3A_156 : i32 to index
        %get3A_171 = arith.constant 0 : index
        %get3A_172 = tpu.vector_load %arg14[%get3A_170, %get3A_171] {strides = array<i32>} : memref<632x16xf32, #tpu.memory_space<vmem>>, vector<1x16xf32>,
        %get3A_173 = vector.shape_cast %get3A_172 : vector<1x16xf32> to vector<16xf32>
        %add3A_174 = arith.addf %mul3A_169, %get3A_173 : vector<16xf32>
        %swap3A = arith.index_cast %add3A_156 : i32 to index
        %swap3A_175 = arith.constant 0 : index
        %swap3A_176 = tpu.vector_load %arg13[%swap3A, %swap3A_175] {strides = array<i32>} : memref<632x16xf32, #tpu.memory_space<vmem>>, vector<1x16xf32>,
        %swap3A_177 = vector.shape_cast %swap3A_176 : vector<1x16xf32> to vector<16xf32>
        %swap3A_178 = vector.shape_cast %add3A_174 : vector<16xf32> to vector<1x16xf32>
        tpu.vector_store %arg13[%swap3A, %swap3A_175], %swap3A_178 {strides = array<i32>} : memref<632x16xf32, #tpu.memory_space<vmem>>, vector<1x16xf32>,
      }
      %scan3A_150 = arith.constant 632 : i32
      "tpu.region"() ({
        %run_scoped3A_152 = tpu.sem_alloc : memref<!tpu.dma_semaphore, #tpu.memory_space<semaphore_mem>>
        %dma_start3A_153 = arith.constant 0 : i32
        %dma_start3A_154 = tpu.memref_slice %arg8[%mul3A_0, %dma_start3A_153] : memref<10112x16xf32, #tpu.memory_space<vmem_shared>> -> memref<632x16xf32, #tpu.memory_space<vmem_shared>>
        %dma_start3A_155 = arith.constant 0 : i32
        %dma_start3A_156 = tpu.memref_slice %arg8[%mul3A_0, %dma_start3A_155] : memref<10112x16xf32, #tpu.memory_space<vmem_shared>> -> memref<632x16xf32, #tpu.memory_space<vmem_shared>>
        tpu.enqueue_dma source(%arg13 : memref<632x16xf32, #tpu.memory_space<vmem>>) target(%dma_start3A_156 : memref<632x16xf32, #tpu.memory_space<vmem_shared>>) target_semaphore(%run_scoped3A_152 : memref<!tpu.dma_semaphore, #tpu.memory_space<semaphore_mem>>)
        %dma_wait3A_157 = arith.constant 0 : i32
        %dma_wait3A_158 = tpu.memref_slice %arg8[%mul3A_0, %dma_wait3A_157] : memref<10112x16xf32, #tpu.memory_space<vmem_shared>> -> memref<632x16xf32, #tpu.memory_space<vmem_shared>>
        %dma_wait3A_159 = arith.constant 0 : i32
        %dma_wait3A_160 = tpu.memref_slice %arg8[%mul3A_0, %dma_wait3A_159] : memref<10112x16xf32, #tpu.memory_space<vmem_shared>> -> memref<632x16xf32, #tpu.memory_space<vmem_shared>>
        tpu.wait_dma2 semaphore(%run_scoped3A_152 : memref<!tpu.dma_semaphore, #tpu.memory_space<semaphore_mem>>) src(%arg13 : memref<632x16xf32, #tpu.memory_space<vmem>>) dst(%dma_wait3A_160 : memref<632x16xf32, #tpu.memory_space<vmem_shared>>)
        tpu.yield
      }) : () -> ()
      %barrier3A_151 = arith.constant 0 : index
      tpu.barrier barrier_id(%barrier3A_151)
    }
    %scan3A_63 = arith.constant 10 : i32
    %scan3A_64 = arith.constant 0 : i32
    %scan3A_65 = arith.constant 632 : i32
    %scan3A_66 = arith.addi %scan3A_64, %scan3A_65 : i32
    %scan3A_67 = arith.constant 1 : i32
    scf.for %scan3A_77 = %scan3A_64 to %scan3A_66 step %scan3A_67  : i32 {
      %mul3A_78 = arith.constant 1 : i32
      %mul3A_79 = arith.muli %scan3A_77, %mul3A_78 : i32
      %add3A_80 = arith.constant 0 : i32
      %add3A_81 = arith.addi %add3A_80, %mul3A_79 : i32
      %get3A = arith.index_cast %add3A_81 : i32 to index
      %get3A_82 = arith.constant 0 : index
      %get3A_83 = tpu.vector_load %arg16[%get3A, %get3A_82] {strides = array<i32>} : memref<632x16xf32, #tpu.memory_space<vmem>>, vector<1x16xf32>,
      %get3A_84 = vector.shape_cast %get3A_83 : vector<1x16xf32> to vector<16xf32>
      %get3A_85 = arith.index_cast %add3A_81 : i32 to index
      %get3A_86 = arith.constant 0 : index
      %get3A_87 = tpu.vector_load %arg13[%get3A_85, %get3A_86] {strides = array<i32>} : memref<632x16xf32, #tpu.memory_space<vmem>>, vector<1x16xf32>,
      %get3A_88 = vector.shape_cast %get3A_87 : vector<1x16xf32> to vector<16xf32>
      %mul3A_89 = arith.mulf %get3A_84, %get3A_88 : vector<16xf32>
      %swap3A = arith.index_cast %add3A_81 : i32 to index
      %swap3A_90 = arith.constant 0 : index
      %swap3A_91 = tpu.vector_load %arg13[%swap3A, %swap3A_90] {strides = array<i32>} : memref<632x16xf32, #tpu.memory_space<vmem>>, vector<1x16xf32>,
      %swap3A_92 = vector.shape_cast %swap3A_91 : vector<1x16xf32> to vector<16xf32>
      %swap3A_93 = vector.shape_cast %mul3A_89 : vector<16xf32> to vector<1x16xf32>
      tpu.vector_store %arg13[%swap3A, %swap3A_90], %swap3A_93 {strides = array<i32>} : memref<632x16xf32, #tpu.memory_space<vmem>>, vector<1x16xf32>,
    }
    %scan3A_68 = arith.constant 632 : i32
    %mul3A_69 = arith.constant 16 : i32
    %mul3A_70 = arith.muli %arg0, %mul3A_69 : i32
    %lt3A = arith.constant 15 : i32
    %lt3A_71 = arith.cmpi slt, %arg1, %lt3A : i32
    %convert_element_type3A = arith.extui %lt3A_71 : i1 to i32
    %cond3A = arith.constant 0 : i32
    %cond3A_72 = arith.cmpi ne, %convert_element_type3A, %cond3A : i32
    scf.if %cond3A_72 {
      "tpu.region"() ({
        %run_scoped3A_77 = tpu.sem_alloc : memref<!tpu.dma_semaphore, #tpu.memory_space<semaphore_mem>>
        %dma_start3A = tpu.memref_slice %arg7[%mul3A_0, %mul3A_70] : memref<10000x32xf32, #tpu.memory_space<hbm>> -> memref<632x16xf32, #tpu.memory_space<hbm>>
        %dma_start3A_78 = tpu.memref_slice %arg7[%mul3A_0, %mul3A_70] : memref<10000x32xf32, #tpu.memory_space<hbm>> -> memref<632x16xf32, #tpu.memory_space<hbm>>
        tpu.enqueue_dma source(%arg13 : memref<632x16xf32, #tpu.memory_space<vmem>>) target(%dma_start3A_78 : memref<632x16xf32, #tpu.memory_space<hbm>>) target_semaphore(%run_scoped3A_77 : memref<!tpu.dma_semaphore, #tpu.memory_space<semaphore_mem>>)
        %dma_wait3A_79 = tpu.memref_slice %arg7[%mul3A_0, %mul3A_70] : memref<10000x32xf32, #tpu.memory_space<hbm>> -> memref<632x16xf32, #tpu.memory_space<hbm>>
        %dma_wait3A_80 = tpu.memref_slice %arg7[%mul3A_0, %mul3A_70] : memref<10000x32xf32, #tpu.memory_space<hbm>> -> memref<632x16xf32, #tpu.memory_space<hbm>>
        tpu.wait_dma2 semaphore(%run_scoped3A_77 : memref<!tpu.dma_semaphore, #tpu.memory_space<semaphore_mem>>) src(%arg13 : memref<632x16xf32, #tpu.memory_space<vmem>>) dst(%dma_wait3A_80 : memref<632x16xf32, #tpu.memory_space<hbm>>)
        tpu.yield
      }) : () -> ()
    } else {
    }
    %eq3A = arith.constant 15 : i32
    %eq3A_73 = arith.cmpi eq, %arg1, %eq3A : i32
    %convert_element_type3A_74 = arith.extui %eq3A_73 : i1 to i32
    %cond3A_75 = arith.constant 0 : i32
    %cond3A_76 = arith.cmpi ne, %convert_element_type3A_74, %cond3A_75 : i32
    scf.if %cond3A_76 {
      "tpu.region"() ({
        %run_scoped3A_77 = tpu.sem_alloc : memref<!tpu.dma_semaphore, #tpu.memory_space<semaphore_mem>>
        %dma_start3A = arith.constant 0 : i32
        %dma_start3A_78 = arith.constant 0 : i32
        %dma_start3A_79 = tpu.memref_slice %arg13[%dma_start3A, %dma_start3A_78] : memref<632x16xf32, #tpu.memory_space<vmem>> -> memref<520x16xf32, #tpu.memory_space<vmem>>
        %dma_start3A_80 = tpu.memref_slice %arg7[%mul3A_0, %mul3A_70] : memref<10000x32xf32, #tpu.memory_space<hbm>> -> memref<520x16xf32, #tpu.memory_space<hbm>>
        %dma_start3A_81 = tpu.memref_slice %arg7[%mul3A_0, %mul3A_70] : memref<10000x32xf32, #tpu.memory_space<hbm>> -> memref<520x16xf32, #tpu.memory_space<hbm>>
        %dma_start3A_82 = arith.constant 0 : i32
        %dma_start3A_83 = arith.constant 0 : i32
        %dma_start3A_84 = tpu.memref_slice %arg13[%dma_start3A_82, %dma_start3A_83] : memref<632x16xf32, #tpu.memory_space<vmem>> -> memref<520x16xf32, #tpu.memory_space<vmem>>
        tpu.enqueue_dma source(%dma_start3A_84 : memref<520x16xf32, #tpu.memory_space<vmem>>) target(%dma_start3A_81 : memref<520x16xf32, #tpu.memory_space<hbm>>) target_semaphore(%run_scoped3A_77 : memref<!tpu.dma_semaphore, #tpu.memory_space<semaphore_mem>>)
        %dma_wait3A_85 = arith.constant 0 : i32
        %dma_wait3A_86 = arith.constant 0 : i32
        %dma_wait3A_87 = tpu.memref_slice %arg13[%dma_wait3A_85, %dma_wait3A_86] : memref<632x16xf32, #tpu.memory_space<vmem>> -> memref<520x16xf32, #tpu.memory_space<vmem>>
        %dma_wait3A_88 = tpu.memref_slice %arg7[%mul3A_0, %mul3A_70] : memref<10000x32xf32, #tpu.memory_space<hbm>> -> memref<520x16xf32, #tpu.memory_space<hbm>>
        %dma_wait3A_89 = tpu.memref_slice %arg7[%mul3A_0, %mul3A_70] : memref<10000x32xf32, #tpu.memory_space<hbm>> -> memref<520x16xf32, #tpu.memory_space<hbm>>
        %dma_wait3A_90 = arith.constant 0 : i32
        %dma_wait3A_91 = arith.constant 0 : i32
        %dma_wait3A_92 = tpu.memref_slice %arg13[%dma_wait3A_90, %dma_wait3A_91] : memref<632x16xf32, #tpu.memory_space<vmem>> -> memref<520x16xf32, #tpu.memory_space<vmem>>
        tpu.wait_dma2 semaphore(%run_scoped3A_77 : memref<!tpu.dma_semaphore, #tpu.memory_space<semaphore_mem>>) src(%dma_wait3A_92 : memref<520x16xf32, #tpu.memory_space<vmem>>) dst(%dma_wait3A_89 : memref<520x16xf32, #tpu.memory_space<hbm>>)
        tpu.yield
      }) : () -> ()
    } else {
    }
    return
  }
}

module attributes {stable_mosaic.version = 14 : i64} {
  func.func @_mlp_body(%arg0: memref<10000x128xf32, #tpu.memory_space<vmem>>, %arg1: memref<128x64xf32, #tpu.memory_space<vmem>>, %arg2: memref<1x64xf32, #tpu.memory_space<vmem>>, %arg3: memref<64x32xf32, #tpu.memory_space<vmem>>, %arg4: memref<1x32xf32, #tpu.memory_space<vmem>>, %arg5: memref<20224x16xf32, #tpu.memory_space<vmem>>) attributes {dimension_semantics = [], scalar_prefetch = 0 : i64, scratch_operands = 0 : i64, tpu.core_type = #tpu.core_type<tc>} {
    %get3A = arith.constant 0 : index
    %get3A_0 = arith.constant 0 : index
    %get3A_1 = vector.load %arg0[%get3A, %get3A_0] : memref<10000x128xf32, #tpu.memory_space<vmem>>, vector<10000x128xf32>
    %get3A_2 = arith.constant 0 : index
    %get3A_3 = arith.constant 0 : index
    %get3A_4 = vector.load %arg1[%get3A_2, %get3A_3] : memref<128x64xf32, #tpu.memory_space<vmem>>, vector<128x64xf32>
    %dot_general3A = arith.constant dense<0.000000e+00> : vector<10000x64xf32>
    %dot_general3A_5 = tpu.matmul %get3A_1, %get3A_4, %dot_general3A {dimension_numbers = #tpu.dot_dimension_numbers<[1], [0], [0], [1], [0, 0, 1, 1], [], []>, transpose_lhs_hint = false} : vector<10000x128xf32>, vector<128x64xf32>, vector<10000x64xf32> -> vector<10000x64xf32>
    %get3A_6 = arith.constant 0 : index
    %get3A_7 = arith.constant 0 : index
    %get3A_8 = vector.load %arg2[%get3A_6, %get3A_7] : memref<1x64xf32, #tpu.memory_space<vmem>>, vector<1x64xf32>
    %add3A = vector.broadcast %get3A_8 : vector<1x64xf32> to vector<10000x64xf32>
    %add3A_9 = arith.addf %dot_general3A_5, %add3A : vector<10000x64xf32>
    %max3A = arith.constant 0.000000e+00 : f32
    %max3A_10 = vector.broadcast %max3A : f32 to vector<10000x64xf32>
    %max3A_11 = arith.maximumf %add3A_9, %max3A_10 : vector<10000x64xf32>
    %broadcast_in_dim3A = arith.constant 0.000000e+00 : f32
    %broadcast_in_dim3A_12 = vector.broadcast %broadcast_in_dim3A : f32 to vector<112x16xf32>
    %get3A_13 = arith.constant 0 : index
    %get3A_14 = arith.constant 0 : index
    %get3A_15 = vector.load %arg3[%get3A_13, %get3A_14] : memref<64x32xf32, #tpu.memory_space<vmem>>, vector<64x16xf32>
    %dot_general3A_16 = arith.constant dense<0.000000e+00> : vector<10000x16xf32>
    %dot_general3A_17 = tpu.matmul %max3A_11, %get3A_15, %dot_general3A_16 {dimension_numbers = #tpu.dot_dimension_numbers<[1], [0], [0], [1], [0, 0, 1, 1], [], []>, transpose_lhs_hint = false} : vector<10000x64xf32>, vector<64x16xf32>, vector<10000x16xf32> -> vector<10000x16xf32>
    %get3A_18 = arith.constant 0 : index
    %get3A_19 = arith.constant 0 : index
    %get3A_20 = vector.load %arg4[%get3A_18, %get3A_19] : memref<1x32xf32, #tpu.memory_space<vmem>>, vector<1x16xf32>
    %add3A_21 = vector.broadcast %get3A_20 : vector<1x16xf32> to vector<10000x16xf32>
    %add3A_22 = arith.addf %dot_general3A_17, %add3A_21 : vector<10000x16xf32>
    %swap3A = arith.constant 0 : index
    %swap3A_23 = arith.constant 0 : index
    %swap3A_24 = vector.load %arg5[%swap3A, %swap3A_23] : memref<20224x16xf32, #tpu.memory_space<vmem>>, vector<10000x16xf32>
    tpu.vector_store %arg5[%swap3A, %swap3A_23], %add3A_22 {strides = array<i32>} : memref<20224x16xf32, #tpu.memory_space<vmem>>, vector<10000x16xf32>,
    %swap3A_25 = arith.constant 10000 : index
    %swap3A_26 = arith.constant 0 : index
    %swap3A_27 = vector.load %arg5[%swap3A_25, %swap3A_26] : memref<20224x16xf32, #tpu.memory_space<vmem>>, vector<112x16xf32>
    tpu.vector_store %arg5[%swap3A_25, %swap3A_26], %broadcast_in_dim3A_12 {strides = array<i32>} : memref<20224x16xf32, #tpu.memory_space<vmem>>, vector<112x16xf32>,
    %get3A_28 = arith.constant 0 : index
    %get3A_29 = arith.constant 16 : index
    %get3A_30 = vector.load %arg3[%get3A_28, %get3A_29] : memref<64x32xf32, #tpu.memory_space<vmem>>, vector<64x16xf32>
    %dot_general3A_31 = arith.constant dense<0.000000e+00> : vector<10000x16xf32>
    %dot_general3A_32 = tpu.matmul %max3A_11, %get3A_30, %dot_general3A_31 {dimension_numbers = #tpu.dot_dimension_numbers<[1], [0], [0], [1], [0, 0, 1, 1], [], []>, transpose_lhs_hint = false} : vector<10000x64xf32>, vector<64x16xf32>, vector<10000x16xf32> -> vector<10000x16xf32>
    %get3A_33 = arith.constant 0 : index
    %get3A_34 = arith.constant 16 : index
    %get3A_35 = vector.load %arg4[%get3A_33, %get3A_34] : memref<1x32xf32, #tpu.memory_space<vmem>>, vector<1x16xf32>
    %add3A_36 = vector.broadcast %get3A_35 : vector<1x16xf32> to vector<10000x16xf32>
    %add3A_37 = arith.addf %dot_general3A_32, %add3A_36 : vector<10000x16xf32>
    %swap3A_38 = arith.constant 10112 : index
    %swap3A_39 = arith.constant 0 : index
    %swap3A_40 = vector.load %arg5[%swap3A_38, %swap3A_39] : memref<20224x16xf32, #tpu.memory_space<vmem>>, vector<10000x16xf32>
    tpu.vector_store %arg5[%swap3A_38, %swap3A_39], %add3A_37 {strides = array<i32>} : memref<20224x16xf32, #tpu.memory_space<vmem>>, vector<10000x16xf32>,
    %swap3A_41 = arith.constant 20112 : index
    %swap3A_42 = arith.constant 0 : index
    %swap3A_43 = vector.load %arg5[%swap3A_41, %swap3A_42] : memref<20224x16xf32, #tpu.memory_space<vmem>>, vector<112x16xf32>
    tpu.vector_store %arg5[%swap3A_41, %swap3A_42], %broadcast_in_dim3A_12 {strides = array<i32>} : memref<20224x16xf32, #tpu.memory_space<vmem>>, vector<112x16xf32>,
    return
  }
}

</mosaic_0001>

<sc_bundles>
// kernel: kernel.4.cloned.1.call-start
scs
__scs_entry_jumppad:
0x0: {  	(pc) =	sbr.rel $0x88, $3  }
0x1: {  	(tag) =	ssettag $0x0;
	lr =	simm.s32 $0x1  }
0x2: {  	[smem:$0x3F9B] =	sst lr;
	_ =	strace $0xD0000000  }
0x3: {  	_ = 	snop  }
0x4: {  	_ = 	snop  }
0x5: {  	_ = 	snop  }
0x6: {  	_ = 	snop  }
0x7: {  	_ = 	snop  }
__scs_overlays_trampoline_lowered:
0x8: {  	[smem:$0x3FAA] =	sst s0  }
0x9: {  	[smem:$0x3FAB] =	sst s1  }
0xa: {  	[smem:$0x3FAC] =	sst s2  }
0xb: {  	[smem:$0x3FAD] =	sst s3  }
0xc: {  	[smem:$0x3FAE] =	sst s4  }
0xd: {  	[smem:$0x3FAF] =	sst s5  }
0xe: {  	[smem:$0x3FB0] =	sst s6  }
0xf: {  	[smem:$0x3FB1] =	sst s7  }
0x10: {  	[smem:$0x3FB2] =	sst s8  }
0x11: {  	[smem:$0x3FB3] =	sst s9;
	s0 =	simm.s32 @!p0 $0x0  }
0x12: {  	s1 =	sld [smem:$0x3F99];
	s0 =	simm.s32 @p0 $0x1  }
0x13: {  	[smem:$0x3FB4] =	sst s0;
	s0 =	simm.s32 @!p1 $0x0  }
0x14: {  	s2 =	sld [smem:$0x3F98];
	s0 =	simm.s32 @p1 $0x1  }
0x15: {  	[smem:$0x3FB5] =	sst s0;
	s0 =	simm.s32 @!p2 $0x0  }
0x16: {  	s3 =	sld [smem:$0x3FDB];
	s0 =	simm.s32 @p2 $0x1  }
0x17: {  	s4 =	simm.s32 $0x1BF5;
	[smem:$0x3FB7] =	sst s0  }
0x18: {  	s0 =	sld [smem:$0x3F9A];
	_ =	swait.ge [sflag:s4], $0x0  }
0x19: {  	s7 =	sld [smem:$0x3F9B]  }
0x1a: {  	s8 =	sadd.s32 $0xFFFFE003, lr  }
0x1b: {  	s9 =	sadd.s32 $0xFFFFFEF7, lr;
	s5 =	simm.s32 $0xFFFFFFFF;
	p2 =	slt.u32 s8, $0xFFFFF086  }
0x1c: {  	p1 =	slt.u32 s9, $0xF7A;
	s5 =	simm.s32 @!p2 $0x0  }
0x1d: {  	s5 =	simm.s32 @p1 $0x1;
	p0 =	seq.s32 s7, s2  }
0x1e: {  	s7 =	smul.u32 @!p0 $0xF7A, s2;
	p2 =	seq.s32 @!p0 s5, $0x0  }
0x1f: {  	s9 =	smul.u32 $0xF7A, s1;
	s8 =	simm.s32 @!p0 $0x1BF5;
	p2 =	por !p2, p0  }
0x20: {  	[sflag:s8] =	ssyncset.s32 @!p0 $0xFFFFF086;
	s6 =	sadd.s32 @!p0 s3, s7;
	s7 =	simm.s32 @!p0 $0x108  }
0x21: {  	s3 =	sadd.s32 s3, s9;
	s6 =	sadd.s32 @!p0 $0x88, s6;
	s7 =	simm.s32 @p2 $0x1082  }
0x22: {  	[simem:s7], [sflag:s8] =	dma.local @!p0 [hbm:s6], $0xF7A  }
0x23: {  	s9 =	sor.u32 $0xD0000000, s2;
	s6 =	simm.s32 $0x108;
	_ =	swait.ge @!p0 [sflag:s8], $0x0  }
0x24: {  	s3 =	sadd.s32 $0x88, s3;
	s6 =	simm.s32 @!p1 $0x1082;
	[sflag:s4] =	ssyncset.s32 $0xFFFFF086  }
0x25: {  	[simem:s6], [sflag:s4] =	dma.local [hbm:s3], $0xF7A  }
0x26: {  	[smem:$0x3F9B] =	sst s1;
	(tag) =	ssettag s2;
	_ =	strace s9  }
0x27: {  	s1 =	sld [smem:$0x3FAB]  }
0x28: {  	s2 =	sld [smem:$0x3FAC]  }
0x29: {  	s4 =	sld [smem:$0x3FAE]  }
0x2a: {  	p0 =	seq.s32 s5, $0x0;
	s5 =	sld [smem:$0x3FAF]  }
0x2b: {  	s6 =	sld [smem:$0x3FB0]  }
0x2c: {  	s7 =	sld [smem:$0x3FB1]  }
0x2d: {  	s3 =	simm.s32 $0x108;
	s8 =	sld [smem:$0x3FB2]  }
0x2e: {  	s3 =	simm.s32 @!p0 $0x1082;
	s9 =	sld [smem:$0x3FB3]  }
0x2f: {  	lr =	sadd.s32 s0, s3;
	s0 =	sld [smem:$0x3FAA]  }
0x30: {  	s3 =	sld [smem:$0x3FAD]  }
0x31: {  	[smem:$0x3FB6] =	sst s10  }
0x32: {  	s10 =	sld [smem:$0x3FB4];
	_ =	sdelay $0x3  }
0x33: {  	p0 =	seq.s32 s10, $0x1;
	s10 =	sld [smem:$0x3FB6];
	_ =	sdelay $0x3  }
0x34: {  	[smem:$0x3FB6] =	sst s10  }
0x35: {  	s10 =	sld [smem:$0x3FB5];
	_ =	sdelay $0x3  }
0x36: {  	p1 =	seq.s32 s10, $0x1;
	s10 =	sld [smem:$0x3FB6];
	_ =	sdelay $0x3  }
0x37: {  	[smem:$0x3FB6] =	sst s10  }
0x38: {  	s10 =	sld [smem:$0x3FB7]  }
0x39: {  	_ = 	snop;
	(pc) =	sbr.ind lr, $3  }
0x3a: {  	_ = 	snop  }
0x3b: {  	_ = 	snop  }
0x3c: {  	p2 =	seq.s32 s10, $0x1;
	s10 =	sld [smem:$0x3FB6]  }
0x3d: {  	_ =	shalt  }
0x3e: {  	_ =	shalt  }
0x3f: {  	_ =	shalt  }
0x40: {  	_ =	shalt  }
0x41: {  	_ =	shalt  }
0x42: {  	_ =	shalt  }
0x43: {  	_ =	shalt  }
0x44: {  	_ =	shalt  }
0x45: {  	_ =	shalt  }
0x46: {  	_ =	shalt  }
0x47: {  	_ =	shalt  }
0x48: {  	_ =	shalt  }
0x49: {  	_ =	shalt  }
0x4a: {  	_ =	shalt  }
0x4b: {  	_ =	shalt  }
0x4c: {  	_ =	shalt  }
0x4d: {  	_ =	shalt  }
0x4e: {  	_ =	shalt  }
0x4f: {  	_ =	shalt  }
0x50: {  	_ =	shalt  }
0x51: {  	_ =	shalt  }
0x52: {  	_ =	shalt  }
0x53: {  	_ =	shalt  }
0x54: {  	_ =	shalt  }
0x55: {  	_ =	shalt  }
0x56: {  	_ =	shalt  }
0x57: {  	_ =	shalt  }
0x58: {  	_ =	shalt  }
0x59: {  	_ =	shalt  }
0x5a: {  	_ =	shalt  }
0x5b: {  	_ =	shalt  }
0x5c: {  	_ =	shalt  }
0x5d: {  	_ =	shalt  }
0x5e: {  	_ =	shalt  }
0x5f: {  	_ =	shalt  }
0x60: {  	_ =	shalt  }
0x61: {  	_ =	shalt  }
0x62: {  	_ =	shalt  }
0x63: {  	_ =	shalt  }
0x64: {  	_ =	shalt  }
0x65: {  	_ =	shalt  }
0x66: {  	_ =	shalt  }
0x67: {  	_ =	shalt  }
0x68: {  	_ =	shalt  }
0x69: {  	_ =	shalt  }
0x6a: {  	_ =	shalt  }
0x6b: {  	_ =	shalt  }
0x6c: {  	_ =	shalt  }
0x6d: {  	_ =	shalt  }
0x6e: {  	_ =	shalt  }
0x6f: {  	_ =	shalt  }
0x70: {  	_ =	shalt  }
0x71: {  	_ =	shalt  }
0x72: {  	_ =	shalt  }
0x73: {  	_ =	shalt  }
0x74: {  	_ =	shalt  }
0x75: {  	_ =	shalt  }
0x76: {  	_ =	shalt  }
0x77: {  	_ =	shalt  }
0x78: {  	_ =	shalt  }
0x79: {  	_ =	shalt  }
0x7a: {  	_ =	shalt  }
0x7b: {  	_ =	shalt  }
0x7c: {  	_ =	shalt  }
0x7d: {  	_ =	shalt  }
0x7e: {  	_ =	shalt  }
0x7f: {  	_ =	shalt  }
0x80: {  	_ =	shalt  }
0x81: {  	_ =	shalt  }
0x82: {  	_ =	shalt  }
0x83: {  	_ =	shalt  }
0x84: {  	_ =	shalt  }
0x85: {  	_ =	shalt  }
0x86: {  	_ =	shalt  }
0x87: {  	_ =	shalt  }
.Lfunc_end0:
.L_simem_size_0:
called_computation_lowered:
.L_overlay_start_0:
0x88: {  	s2 =	sld [smem:$0x3FD9]  }
0x89: {  	s3 =	sld [smem:$0x3FFE];
	_ =	sdelay $0x1  }
0x8a: {  	s1 =	srdreg.scid  }
0x8b: {  	s0 =	sand.u32 $0x1, s1  }
0x8c: {  	s17 =	sshll.u32 s0, $0xA;
	s2 =	sadd.s32 s3, s2  }
0x8d: {  	s2 =	sadd.s32 s2, s17  }
0x8e: {  	[smem:$0x3FC2] =	sst s2  }
0x8f: {  	_ = 	snop  }
0x90: {  	s2 =	sld [smem:$0x3FD0];
	(tm) =	ssettm $0x1  }
0x91: {  	s18 =	sld [smem:$0x3FFB];
	_ =	sdelay $0x3  }
0x92: {  	_ =	strace s18  }
0x93: {  	s3 =	sld [smem:$0x3FFC];
	_ =	sdelay $0x3  }
0x94: {  	_ =	strace s3  }
0x95: {  	s3 =	sld [smem:$0x3FFD];
	_ =	sdelay $0x3  }
0x96: {  	_ =	strace s3  }
0x97: {  	_ =	strace $0x8FFFFFFF  }
0x98: {  	s19 =	sld [smem:$0x3FDB];
	_ =	sdelay $0x1  }
0x99: {  	s4 =	simm.s32 $_scs_section_size  }
0x9a: {  	s5 =	simm.s32 $_size__tile_overlayer_lowered;
	s6 =	simm.s32 $_tile_overlayer_lowered  }
0x9b: {  	s22 =	simm.s32 $0x1BFF;
	s21 =	sshll.u32 s6, $0x1;
	s3 =	sadd.s32 s4, s19  }
0x9c: {  	s7 =	simm.s32 $0x0;
	s20 =	sshll.u32 s5, $0x1;
	s5 =	sadd.s32 s21, s3  }
0x9d: {  	[timem:s7], [sflag:s22] =	dma.local [hbm:s5], s20  }
0x9e: {  	_ =	swait.ge [sflag:s22], s20  }
0x9f: {  	s4 =	ssub.s32 $0x0, s20;
	[sflag:s22] =	ssyncset.done $0x0  }
0xa0: {  	[sflag:s22] =	ssyncadd.s32 s4;
	_ =	sdelay $0x1  }
0xa1: {  	s23 =	simm.s32 $0x1B8B  }
0xa2: {  	_ =	swait.ge [sflag:s23], $0x1  }
0xa3: {  	[sflag:s23] =	ssyncset.done $0x0  }
0xa4: {  	s25 =	simm.s32 $0x1B8E;
	s24 =	sld [smem:$0x3FFE];
	[sflag:s23] =	ssyncadd.s32 $0xFFFFFFFF  }
0xa5: {  	s26 =	simm.s32 $execute0_lowered;
	[smem:$0x3FD2] =	sst s25  }
0xa6: {  	s5 =	sshll.u32 s26, $0x1;
	_ =	strace $0x80000046;
	[dreg:$0x1] =	wrdreg $0xFFFFFFFF  }
0xa7: {  	s28 =	simm.s32 $_size_execute0_lowered;
	s3 =	sadd.s32 s3, s5;
	[dreg:$0x0] =	wrdreg $0x0  }
0xa8: {  	s5 =	sshll.u32 s28, $0x1;
	[dreg:$0x2] =	wrdreg s3  }
0xa9: {  	[dreg:$0x3] =	wrdreg s5  }
0xaa: {  	[dreg:$0x4] =	wrdreg $0xC0  }
0xab: {  	_ =	task [dreg:s7], $0x5FFFF  }
0xac: {  	[dreg:$0x1] =	wrdreg $0xFFFFFFFF  }
0xad: {  	[dreg:$0x0] =	wrdreg $0x60  }
0xae: {  	[dreg:$0x2] =	wrdreg s24  }
0xaf: {  	[dreg:$0x3] =	wrdreg s2  }
0xb0: {  	[dreg:$0x4] =	wrdreg $0x27800  }
0xb1: {  	[dreg:$0x5] =	wrdreg $0x0  }
0xb2: {  	[dreg:$0x6] =	wrdreg $0x9  }
0xb3: {  	_ =	task.clear_ibuf [dreg:s7], $0x7FFFF;
	_ =	strace $0x90000046  }
0xb4: {  	s29 =	simm.s32 $0x9;
	_ =	strace $0x80000048  }
0xb5: {  	_ =	swait.ge [sflag:s29], $0x1  }
0xb6: {  	[sflag:s29] =	ssyncadd.s32 $0xFFFFFFFF  }
0xb7: {  	_ =	strace $0x90000048  }
0xb8: {  	_ =	sfence  }
0xb9: {  	s30 =	sld [smem:$0x0];
	_ =	sdelay $0x2  }
0xba: {  	s31 =	sshll.u32 s1, $0xD;
	s1 =	sshrl.u32 s1, $0x2  }
0xbb: {  	s3 =	sand.u32 $0x4000, s31;
	s1 =	sadd.s32 s1, s30  }
0xbc: {  	s0 =	sor.u32 s3, s0;
	s1 =	sshll.u32 s1, $0x11  }
0xbd: {  	s0 =	sor.u32 s1, s0  }
0xbe: {  	s0 =	sadd.s32 $0x8F2B, s0  }
0xbf: {  	[sflag:s0] =	ssyncadd.remote.s32 $0x1  }
0xc0: {  	_ =	sfence.sel $0xFFFF  }
0xc1: {  	[dreg:$0x0] =	wrdreg $0xFFFFFFFF;
	(pc) =	sbr.abs _section_cstart, $3  }
0xc2: {  	[dreg:$0x1] =	wrdreg $0xFFFFFFFF  }
0xc3: {  	_ =	task.clear_ibuf [dreg:s7], $0x2FFFF;
	_ =	strace $0x9FFFFFFF  }
0xc4: {  	(tm) =	ssettm $0x7FFFFFFF  }
0xc5: {  	_ =	shalt  }
tec
execute0_lowered:
.L_overlay_start_1:
0x0: {  	(tag) =	ssettag $0x1  }
0x1: {  	s0 =	rddreg [dreg:$0x0]  }
0x2: {  	s1 =	rddreg [dreg:$0x1]  }
0x3: {  	s2 =	rddreg [dreg:$0x2]  }
0x4: {  	s3 =	rddreg [dreg:$0x3];
	s15 =	stileid.u32  }
0x5: {  	s4 =	simm.s32 $0x0;
	s5 =	srdreg.scid;
	s16 =	smul.u32 $0xA00, s15  }
0x6: {  	s28 =	simm.s32 $0x4;
	s29 =	simm.s32 $0x5;
	s6 =	smul.u32 $0x4F0, s15  }
0x7: {  	s30 =	simm.s32 $0x6;
	s31 =	simm.s32 $0xED00;
	s19 =	smul.u32 $0x9E00, s15  }
0x8: {  	[smem:$0x7FF] =	sst s4;
	s5 =	sand.u32 $0x1, s5;
	s21 =	smul.u32 $0x2780, s15  }
0x9: {  	s7 =	sadd.s32 $0x14600, s0;
	s9 =	sadd.s32 $0x14A00, s0;
	s23 =	smul.u32 $0x4F00, s15  }
0xa: {  	p0 =	seq.s32 s15, $0xF;
	s15 =	simm.s32 $0x3;
	_ =	strace $0x80000047  }
0xb: {  	[dreg:$0x5] =	wrdreg s7;
	s17 =	ssub.s32 $0x2, s5;
	s8 =	smul.u32 $0x4F00, s5  }
0xc: {  	[dreg:$0x6] =	wrdreg s9;
	s24 =	sshll.u32 s5, $0x4;
	s5 =	sshll.u32 s5, $0x1  }
0xd: {  	s4 =	sadd.s32 s16, s0;
	s0 =	sadd.s32 $0x14C00, s0;
	s18 =	sshrl.u32 s17, $0x1  }
0xe: {  	s22 =	sshrl.u32 s19, $0x2;
	s10 =	sadd.s32 s21, s2;
	s14 =	sadd.s32 s21, s3  }
0xf: {  	s19 =	simm.s32 $0x7;
	s21 =	simm.s32 $0xEF00;
	s16 =	simm.s32 $0x5700  }
0x10: {  	s7 =	ssub.s32 s17, s18;
	s6 =	sadd.s32 s6, s8;
	s20 =	sadd.s32 $0xA600, s4  }
0x11: {  	s4 =	sadd.s32 $0x600, s4;
	s17 =	simm.s32 $0x4F00;
	[dreg:$0x7] =	wrdreg s20  }
0x12: {  	s8 =	simm.s32 $0x2;
	[dreg:$0x8] =	wrdreg s4;
	s1 =	sadd.s32 s1, s6  }
0x13: {  	s6 =	sor.u32 s24, s23;
	s26 =	smax.u32 s7, $0x1;
	s20 =	simm.s32 $0x9F00  }
0x14: {  	s24 =	simm.s32 $0x200;
	s23 =	simm.s32 $0x10F00;
	s7 =	simm.s32 $0x12F00  }
0x15: {  	[dreg:$0x9] =	wrdreg s1;
	s1 =	sadd.s32 s22, s2;
	s25 =	sshrl.u32 s6, $0x3  }
0x16: {  	[dreg:$0xc] =	wrdreg s26;
	s22 =	simm.s32 $0x1ED00;
	s26 =	simm.s32 $0xA300  }
0x17: {  	s6 =	simm.s32 $0x0;
	s11 =	sadd.s32 $0x9E0, s1;
	s12 =	sadd.s32 $0x13C0, s1  }
0x18: {  	s13 =	sadd.s32 $0x1DA0, s1;
	s1 =	sadd.s32 s0, s25;
	s0 =	sadd.s32 s5, s0  }
0x19: {  	s25 =	simm.s32 $0xA100;
	[dreg:$0xa] =	wrdreg s1;
	s0 =	sadd.s32 $0x9420, s0  }
0x1a: {  	s5 =	simm.s32 $0x1;
	[dreg:$0xb] =	wrdreg s0;
	s0 =	simm.s32 $0x14F00  }
.LBB2_1:
0x1b: {  	[dreg:$0xd] =	wrdreg s6  }
0x1c: {  	s1 =	simm.s32 $0x0;
	s4 =	rddreg [dreg:$0x7]  }
0x1d: {  	[tilespmem:s17], [sflag:$0x7] =	stream.linear.gather [hbm4b:s4+s1], $0x5000, $0x38;
	[tilespmem:$0x1F6E0] =	vst v63  }
0x1e: {  	_ =	swait.ge [sflag:s19], $0x5000  }
0x1f: {  	[sflag:s19] =	ssyncset.done $0x0  }
0x20: {  	s9 =	rddreg [dreg:$0x8];
	[sflag:s19] =	ssyncadd.s32 $0xFFFFB000  }
0x21: {  	[tilespmem:s20], [sflag:$0x7] =	stream.linear.gather [hbm4b:s9+s1], $0x5000, $0x38;
	[tilespmem:$0x1F6E0] =	vst v63  }
0x22: {  	_ =	swait.ge [sflag:s19], $0x5000  }
0x23: {  	[sflag:s19] =	ssyncset.done $0x0  }
0x24: {  	s17 =	rddreg [dreg:$0x5];
	[sflag:s19] =	ssyncadd.s32 $0xFFFFB000  }
0x25: {  	[tilespmem:s21], [sflag:$0x7] =	stream.linear.gather [hbm4b:s17+s1], $0x2000, $0x38;
	[tilespmem:$0x1F6E0] =	vst v63  }
0x26: {  	_ =	swait.ge [sflag:s19], $0x2000  }
0x27: {  	[sflag:s19] =	ssyncset.done $0x0  }
0x28: {  	s18 =	rddreg [dreg:$0x6];
	[sflag:s19] =	ssyncadd.s32 $0xFFFFE000  }
0x29: {  	[tilespmem:s22], [sflag:$0x7] =	stream.linear.gather [hbm4b:s18+s1], $0x9E0, $0x38;
	[tilespmem:$0x1F6E0] =	vst v63  }
0x2a: {  	_ =	swait.ge [sflag:s19], $0x9E0  }
0x2b: {  	[sflag:s19] =	ssyncset.done $0x0  }
0x2c: {  	s9 =	simm.s32 $0x17680;
	s6 =	rddreg [dreg:$0x9];
	[sflag:s19] =	ssyncadd.s32 $0xFFFFF620  }
0x2d: {  	[tilespmem:s9], [sflag:$0x7] =	stream.linear.gather [hbm4b:s6+s1], $0x2780, $0x38;
	[tilespmem:$0x1F6E0] =	vst v63  }
0x2e: {  	_ =	swait.ge [sflag:s19], $0x2780  }
0x2f: {  	[sflag:s19] =	ssyncset.done $0x0  }
0x30: {  	[sflag:s19] =	ssyncadd.s32 $0xFFFFD880  }
0x31: {  	[spmem:s10] =	stream.linear.scatter [tilespmem:s22], [sflag:$0x7], $0x9E0, $0x38;
	[tilespmem:$0x1F6E0] =	vst v63  }
0x32: {  	_ =	swait.ge [sflag:s19], $0x9E0  }
0x33: {  	[sflag:s19] =	ssyncset.done $0x0  }
0x34: {  	[sflag:s19] =	ssyncadd.s32 $0xFFFFF620  }
0x35: {  	[spmem:s11] =	stream.linear.scatter [tilespmem:s22], [sflag:$0x7], $0x9E0, $0x38;
	[tilespmem:$0x1F6E0] =	vst v63  }
0x36: {  	_ =	swait.ge [sflag:s19], $0x9E0  }
0x37: {  	[sflag:s19] =	ssyncset.done $0x0  }
0x38: {  	[sflag:s19] =	ssyncadd.s32 $0xFFFFF620  }
0x39: {  	[spmem:s12] =	stream.linear.scatter [tilespmem:s22], [sflag:$0x7], $0x9E0, $0x38;
	[tilespmem:$0x1F6E0] =	vst v63  }
0x3a: {  	_ =	swait.ge [sflag:s19], $0x9E0  }
0x3b: {  	[sflag:s19] =	ssyncset.done $0x0  }
0x3c: {  	[sflag:s19] =	ssyncadd.s32 $0xFFFFF620  }
0x3d: {  	[spmem:s13] =	stream.linear.scatter [tilespmem:s22], [sflag:$0x7], $0x9E0, $0x38;
	[tilespmem:$0x1F6E0] =	vst v63  }
0x3e: {  	_ =	swait.ge [sflag:s19], $0x9E0  }
0x3f: {  	[sflag:s19] =	ssyncset.done $0x0  }
0x40: {  	[sflag:s19] =	ssyncadd.s32 $0xFFFFF620  }
0x41: {  	[bflag:$0x0] =	sbarrier.arrive $0xFFFF  }
0x42: {  	[spmem:s2] =	stream.indirect.scatter.add.f32 [tilespmem:s21], [sflag:$0x4], $0x10, s20, s24, $0xb8;
	[tilespmem:$0x1F6E0] =	vst v63  }
0x43: {  	_ = 	snop  }
0x44: {  	[spmem:s2] =	stream.indirect.scatter.add.f32 [tilespmem:s21], [sflag:$0x5], $0x10, s25, s24, $0xb8;
	[tilespmem:$0x1F6E0] =	vst v63  }
0x45: {  	_ = 	snop  }
0x46: {  	[spmem:s2] =	stream.indirect.scatter.add.f32 [tilespmem:s21], [sflag:$0x6], $0x10, s26, s24, $0xb8;
	[tilespmem:$0x1F6E0] =	vst v63  }
0x47: {  	_ =	swait.ge [sflag:s28], $0x2000  }
0x48: {  	[sflag:s28] =	ssyncset.done $0x0  }
0x49: {  	s17 =	simm.s32 $0xA500;
	[sflag:s28] =	ssyncadd.s32 $0xFFFFE000  }
0x4a: {  	[spmem:s2] =	stream.indirect.scatter.add.f32 [tilespmem:s21], [sflag:$0x4], $0x10, s17, s24, $0xb8;
	[tilespmem:$0x1F6E0] =	vst v63  }
0x4b: {  	_ =	swait.ge [sflag:s29], $0x2000  }
0x4c: {  	[sflag:s29] =	ssyncset.done $0x0  }
0x4d: {  	s18 =	simm.s32 $0xA700;
	[sflag:s29] =	ssyncadd.s32 $0xFFFFE000  }
0x4e: {  	[spmem:s2] =	stream.indirect.scatter.add.f32 [tilespmem:s21], [sflag:$0x5], $0x10, s18, s24, $0xb8;
	[tilespmem:$0x1F6E0] =	vst v63  }
0x4f: {  	_ =	swait.ge [sflag:s30], $0x2000  }
0x50: {  	[sflag:s30] =	ssyncset.done $0x0  }
0x51: {  	s4 =	simm.s32 $0xA900;
	s1 =	simm.s32 $0xFFFEF800;
	[sflag:s30] =	ssyncadd.s32 $0xFFFFE000  }
.LBB2_2:
0x52: {  	[spmem:s2] =	stream.indirect.scatter.add.f32 [tilespmem:s21], [sflag:$0x6], $0x10, s4, s24, $0xb8;
	[tilespmem:$0x1F6E0] =	vst v63  }
0x53: {  	s4 =	smov.u32 s1  }
0x54: {  	p1 =	sne.s32 s1, $0xFFFFE800;
	s1 =	sadd.s32 $0x1800, s1;
	_ =	swait.ge [sflag:s28], $0x2000  }
0x55: {  	s4 =	sshra.s32 s4, $0x2;
	[sflag:s28] =	ssyncset.done $0x0  }
0x56: {  	s6 =	sadd.s32 $0xED00, s4;
	[sflag:s28] =	ssyncadd.s32 $0xFFFFE000  }
0x57: {  	[spmem:s2] =	stream.indirect.scatter.add.f32 [tilespmem:s21], [sflag:$0x4], $0x10, s6, s24, $0xb8;
	[tilespmem:$0x1F6E0] =	vst v63  }
0x58: {  	_ =	swait.ge [sflag:s29], $0x2000  }
0x59: {  	[sflag:s29] =	ssyncset.done $0x0  }
.Ltmp0:
0x5a: {  	s6 =	sadd.s32 $0xEF00, s4;
	[sflag:s29] =	ssyncadd.s32 $0xFFFFE000;
	(pc) =	sbr.rel @p1 .LBB2_2-.Ltmp0, $4  }
0x5b: {  	[spmem:s2] =	stream.indirect.scatter.add.f32 [tilespmem:s21], [sflag:$0x5], $0x10, s6, s24, $0xb8;
	[tilespmem:$0x1F6E0] =	vst v63  }
0x5c: {  	_ =	swait.ge [sflag:s30], $0x2000  }
0x5d: {  	[sflag:s30] =	ssyncset.done $0x0  }
0x5e: {  	s4 =	sadd.s32 $0xF100, s4;
	[sflag:s30] =	ssyncadd.s32 $0xFFFFE000  }
0x5f: {  	[spmem:s2] =	stream.indirect.scatter.add.f32 [tilespmem:s21], [sflag:$0x6], $0x10, s4, s24, $0xb8;
	[tilespmem:$0x1F6E0] =	vst v63  }
0x60: {  	_ =	swait.ge [sflag:s28], $0x2000  }
0x61: {  	[sflag:s28] =	ssyncset.done $0x0  }
0x62: {  	[sflag:s28] =	ssyncadd.s32 $0xFFFFE000  }
0x63: {  	_ =	swait.ge [sflag:s29], $0x2000  }
0x64: {  	[sflag:s29] =	ssyncset.done $0x0  }
0x65: {  	[sflag:s29] =	ssyncadd.s32 $0xFFFFE000  }
0x66: {  	_ =	swait.ge [sflag:s30], $0x2000  }
0x67: {  	[sflag:s30] =	ssyncset.done $0x0  }
0x68: {  	[sflag:s30] =	ssyncadd.s32 $0xFFFFE000  }
0x69: {  	[spmem:s2] =	stream.indirect.scatter.add.f32 [tilespmem:s21], [sflag:$0x7], $0x10, s31, s24, $0xb8;
	[tilespmem:$0x1F6E0] =	vst v63  }
0x6a: {  	_ =	swait.ge [sflag:s19], $0x2000  }
0x6b: {  	[sflag:s19] =	ssyncset.done $0x0  }
0x6c: {  	[sflag:s19] =	ssyncadd.s32 $0xFFFFE000  }
0x6d: {  	[bflag:$0x0] =	sbarrier.arrive $0xFFFF  }
0x6e: {  	[tilespmem:s21], [sflag:$0x7] =	stream.linear.gather [spmem:s10], $0x2780, $0x38;
	[tilespmem:$0x1F6E0] =	vst v63  }
0x6f: {  	_ =	swait.ge [sflag:s19], $0x2780  }
0x70: {  	[sflag:s19] =	ssyncset.done $0x0  }
0x71: {  	s6 =	simm.s32 $0x0;
	[sflag:s19] =	ssyncadd.s32 $0xFFFFD880  }
0x72: {  	v0 =	vld [tilespmem:s6+$0xEF00];
	_ =	sdelay $0x4  }
0x73: {  	v3 =	vadd.f32 $1.000000000e+00, v0;
	_ =	sdelay $0x1  }
0x74: {  	v0 =	vshra.s32 v3, $0x1;
	v2 =	vmul.f32 $5.000000000e-01, v3  }
0x75: {  	s1 =	simm.s32 $0x10;
	v0 =	vsub.s32 $0x5F3759DF, v0  }
0x76: {  	v1 =	vld [tilespmem:s1+$0xEF00];
	v4 =	vmul.f32 v0, v2;
	_ =	sdelay $0x1  }
0x77: {  	v4 =	vmul.f32 v0, v4;
	_ =	sdelay $0x1  }
0x78: {  	v4 =	vsub.f32 $1.500000000e+00, v4  }
0x79: {  	v1 =	vadd.f32 $1.000000000e+00, v1  }
0x7a: {  	v4 =	vmul.f32 v0, v4  }
0x7b: {  	v10 =	vmul.f32 $5.000000000e-01, v1;
	v0 =	vshra.s32 v1, $0x1  }
0x7c: {  	s4 =	simm.s32 $0x20;
	v5 =	vsub.s32 $0x5F3759DF, v0;
	v0 =	vmul.f32 v4, v2  }
0x7d: {  	v6 =	vld [tilespmem:s4+$0xEF00];
	v7 =	vmul.f32 v5, v10  }
0x7e: {  	v0 =	vmul.f32 v0, v4  }
0x7f: {  	v7 =	vmul.f32 v5, v7  }
0x80: {  	v8 =	vsub.f32 $1.500000000e+00, v0  }
0x81: {  	v7 =	vsub.f32 $1.500000000e+00, v7  }
0x82: {  	v0 =	vadd.f32 $1.000000000e+00, v6;
	v4 =	vmul.f32 v8, v4  }
0x83: {  	v7 =	vmul.f32 v5, v7  }
0x84: {  	v6 =	vshra.s32 v0, $0x1;
	v5 =	vmul.f32 $5.000000000e-01, v0;
	v2 =	vmul.f32 v4, v2  }
0x85: {  	s17 =	simm.s32 $0x30;
	v11 =	vsub.s32 $0x5F3759DF, v6;
	v6 =	vmul.f32 v7, v10  }
0x86: {  	v8 =	vld [tilespmem:s17+$0xEF00];
	v9 =	vmul.f32 v11, v5;
	v2 =	vmul.f32 v2, v4  }
0x87: {  	v6 =	vmul.f32 v6, v7  }
0x88: {  	v9 =	vmul.f32 v11, v9;
	v2 =	vsub.f32 $1.500000000e+00, v2  }
0x89: {  	v12 =	vsub.f32 $1.500000000e+00, v6;
	v6 =	vld [tilespmem:s6+$0x17680]  }
0x8a: {  	v13 =	vsub.f32 $1.500000000e+00, v9;
	v9 =	vmul.f32 v2, v4  }
0x8b: {  	v2 =	vadd.f32 $1.000000000e+00, v8;
	v8 =	vmul.f32 v12, v7  }
0x8c: {  	v7 =	vmul.f32 v11, v13;
	v12 =	vmul.f32 $1.000000010e-01, v9  }
0x8d: {  	v13 =	vshra.s32 v2, $0x1;
	v4 =	vmul.f32 $5.000000000e-01, v2;
	v11 =	vmul.f32 v8, v10  }
0x8e: {  	s18 =	simm.s32 $0x40;
	s9 =	simm.s32 $0x140;
	v10 =	vsub.s32 $0x5F3759DF, v13;
	v13 =	vmul.f32 v7, v5;
	v12 =	vmul.f32 v12, v6  }
.LBB2_4:
0x8f: {  	p1 =	sne.s32 s9, $0x9DC0;
	v14 =	vld [tilespmem:s18+$0xEF00];
	v15 =	vmul.f32 v10, v4;
	v11 =	vmul.f32 v11, v8  }
0x90: {  	v16 =	vmul.f32 $8.999999760e-01, v9;
	v13 =	vmul.f32 v13, v7;
	[tilespmem:s6+$0x17680] =	vst v12  }
0x91: {  	v12 =	vmul.f32 v10, v15;
	v11 =	vsub.f32 $1.500000000e+00, v11;
	v15 =	vmul.f32 v9, v3;
	v3 =	vmovc v1;
	v1 =	vmovc v0  }
0x92: {  	v17 =	vmul.f32 v9, v6;
	v16 =	vmul.f32 v16, v9;
	v0 =	vmovc v2;
	v13 =	vsub.f32 $1.500000000e+00, v13;
	v6 =	vld [tilespmem:s1+$0x17680]  }
.Ltmp1:
0x93: {  	v12 =	vsub.f32 $1.500000000e+00, v12;
	v9 =	vmul.f32 v11, v8;
	[tilespmem:s6+$0x1C580] =	vst v15;
	(pc) =	sbr.rel @p1 .LBB2_4-.Ltmp1, $4  }
0x94: {  	v2 =	vadd.f32 $1.000000000e+00, v14;
	v8 =	vmul.f32 v13, v7;
	[tilespmem:s6+$0x19E00] =	vst v16  }
0x95: {  	v7 =	vmul.f32 v10, v12;
	v12 =	vmul.f32 $1.000000010e-01, v9;
	[tilespmem:s6+$0x14F00] =	vst v17;
	s6 =	smov.u32 s1;
	s1 =	smov.u32 s4;
	s4 =	smov.u32 s17  }
0x96: {  	s17 =	smov.u32 s18;
	v10 =	vshra.s32 v2, $0x1;
	v11 =	vmul.f32 v8, v5;
	v5 =	vmovc v4;
	v4 =	vmul.f32 $5.000000000e-01, v2  }
0x97: {  	s18 =	sshra.s32 s9, $0x2;
	s9 =	sadd.s32 $0x40, s9;
	v10 =	vsub.s32 $0x5F3759DF, v10;
	v13 =	vmul.f32 v7, v5;
	v12 =	vmul.f32 v12, v6  }
0x98: {  	v14 =	vld [tilespmem:s18+$0xEF00]  }
0x99: {  	v15 =	vmul.f32 v10, v4;
	v11 =	vmul.f32 v11, v8  }
0x9a: {  	v16 =	vmul.f32 $8.999999760e-01, v9;
	v13 =	vmul.f32 v13, v7  }
0x9b: {  	v3 =	vmul.f32 v9, v3;
	v15 =	vmul.f32 v10, v15  }
0x9c: {  	v6 =	vmul.f32 v9, v6;
	[tilespmem:s6+$0x17680] =	vst v12;
	v11 =	vsub.f32 $1.500000000e+00, v11;
	v28 =	vsub.f32 $1.500000000e+00, v13  }
0x9d: {  	v29 =	vmul.f32 v16, v9;
	v30 =	vld [tilespmem:s1+$0x17680];
	v31 =	vsub.f32 $1.500000000e+00, v15;
	v14 =	vadd.f32 $1.000000000e+00, v14  }
0x9e: {  	v32 =	vmul.f32 v11, v8;
	v33 =	vmul.f32 v28, v7  }
0x9f: {  	v9 =	vmul.f32 v10, v31;
	v34 =	vshra.s32 v14, $0x1;
	v35 =	vmul.f32 $5.000000000e-01, v14  }
0xa0: {  	v36 =	vmul.f32 $1.000000010e-01, v32;
	v5 =	vmul.f32 v33, v5;
	v10 =	vsub.s32 $0x5F3759DF, v34  }
0xa1: {  	[tilespmem:s6+$0x1C580] =	vst v3;
	v37 =	vmul.f32 v9, v4;
	v38 =	vmul.f32 v10, v35  }
0xa2: {  	[tilespmem:s6+$0x14F00] =	vst v6;
	v12 =	vmul.f32 v36, v30;
	v5 =	vmul.f32 v5, v33  }
0xa3: {  	[tilespmem:s6+$0x19E00] =	vst v29;
	v3 =	vmul.f32 v37, v9;
	v39 =	vmul.f32 v10, v38  }
0xa4: {  	[tilespmem:s1+$0x17680] =	vst v12;
	v5 =	vsub.f32 $1.500000000e+00, v5  }
0xa5: {  	v40 =	vmul.f32 $8.999999760e-01, v32;
	v13 =	vld [tilespmem:s4+$0x17680];
	v3 =	vsub.f32 $1.500000000e+00, v3;
	v6 =	vsub.f32 $1.500000000e+00, v39  }
0xa6: {  	v1 =	vmul.f32 v32, v1;
	v5 =	vmul.f32 v5, v33  }
0xa7: {  	v3 =	vmul.f32 v3, v9;
	v6 =	vmul.f32 v10, v6  }
0xa8: {  	v41 =	vmul.f32 v40, v32;
	v42 =	vmul.f32 $1.000000010e-01, v5  }
0xa9: {  	v43 =	vmul.f32 v3, v4;
	v10 =	vmul.f32 v6, v35  }
0xaa: {  	v8 =	vmul.f32 v32, v30;
	[tilespmem:s1+$0x1C580] =	vst v1;
	v44 =	vmul.f32 v42, v13  }
0xab: {  	[tilespmem:s1+$0x19E00] =	vst v41;
	v4 =	vmul.f32 v43, v3;
	v45 =	vmul.f32 v10, v6  }
0xac: {  	[tilespmem:s1+$0x14F00] =	vst v8  }
0xad: {  	[tilespmem:s4+$0x17680] =	vst v44;
	v46 =	vsub.f32 $1.500000000e+00, v4;
	v47 =	vsub.f32 $1.500000000e+00, v45  }
0xae: {  	v48 =	vmul.f32 $8.999999760e-01, v5;
	v8 =	vld [tilespmem:s17+$0x17680]  }
0xaf: {  	v1 =	vmul.f32 v46, v3;
	v49 =	vmul.f32 v47, v6  }
0xb0: {  	v0 =	vmul.f32 v5, v0;
	v50 =	vmul.f32 v48, v5  }
0xb1: {  	v51 =	vmul.f32 $1.000000010e-01, v1;
	v52 =	vmul.f32 v49, v35  }
0xb2: {  	v5 =	vmul.f32 v5, v13;
	[tilespmem:s4+$0x1C580] =	vst v0  }
0xb3: {  	[tilespmem:s4+$0x19E00] =	vst v50;
	v53 =	vmul.f32 v51, v8;
	v54 =	vmul.f32 v52, v49  }
0xb4: {  	[tilespmem:s4+$0x14F00] =	vst v5  }
0xb5: {  	[tilespmem:s17+$0x17680] =	vst v53;
	v55 =	vsub.f32 $1.500000000e+00, v54  }
0xb6: {  	v57 =	vmul.f32 $8.999999760e-01, v1;
	v56 =	vld [tilespmem:s18+$0x17680]  }
0xb7: {  	v2 =	vmul.f32 v1, v2;
	v0 =	vmul.f32 v55, v49  }
0xb8: {  	v58 =	vmul.f32 v57, v1  }
0xb9: {  	v1 =	vmul.f32 v1, v8;
	[tilespmem:s17+$0x1C580] =	vst v2;
	v59 =	vmul.f32 $1.000000010e-01, v0  }
0xba: {  	[tilespmem:s17+$0x19E00] =	vst v58;
	v61 =	vmul.f32 $8.999999760e-01, v0;
	v62 =	vmul.f32 v0, v14  }
0xbb: {  	[tilespmem:s17+$0x14F00] =	vst v1;
	v60 =	vmul.f32 v59, v56  }
0xbc: {  	v63 =	vmul.f32 v61, v0;
	[tilespmem:s18+$0x1C580] =	vst v62  }
0xbd: {  	v0 =	vmul.f32 v0, v56;
	[tilespmem:s18+$0x17680] =	vst v60  }
0xbe: {  	[tilespmem:s18+$0x19E00] =	vst v63  }
0xbf: {  	[tilespmem:s18+$0x14F00] =	vst v0  }
0xc0: {  	[spmem:s10] =	stream.linear.scatter [tilespmem:s22], [sflag:$0x7], $0x9E0, $0x38;
	[tilespmem:$0x1F6E0] =	vst v63  }
0xc1: {  	_ =	swait.ge [sflag:s19], $0x9E0  }
0xc2: {  	[sflag:s19] =	ssyncset.done $0x0  }
0xc3: {  	[sflag:s19] =	ssyncadd.s32 $0xFFFFF620  }
0xc4: {  	[spmem:s11] =	stream.linear.scatter [tilespmem:s22], [sflag:$0x7], $0x9E0, $0x38;
	[tilespmem:$0x1F6E0] =	vst v63  }
0xc5: {  	_ =	swait.ge [sflag:s19], $0x9E0  }
0xc6: {  	[sflag:s19] =	ssyncset.done $0x0  }
0xc7: {  	[sflag:s19] =	ssyncadd.s32 $0xFFFFF620  }
0xc8: {  	[spmem:s12] =	stream.linear.scatter [tilespmem:s22], [sflag:$0x7], $0x9E0, $0x38;
	[tilespmem:$0x1F6E0] =	vst v63  }
0xc9: {  	_ =	swait.ge [sflag:s19], $0x9E0  }
0xca: {  	[sflag:s19] =	ssyncset.done $0x0  }
0xcb: {  	[sflag:s19] =	ssyncadd.s32 $0xFFFFF620  }
0xcc: {  	[spmem:s13] =	stream.linear.scatter [tilespmem:s22], [sflag:$0x7], $0x9E0, $0x38;
	[tilespmem:$0x1F6E0] =	vst v63  }
0xcd: {  	_ =	swait.ge [sflag:s19], $0x9E0  }
0xce: {  	[sflag:s19] =	ssyncset.done $0x0  }
0xcf: {  	[sflag:s19] =	ssyncadd.s32 $0xFFFFF620  }
0xd0: {  	[spmem:s14] =	stream.linear.scatter [tilespmem:s0], [sflag:$0x7], $0x2780, $0x38;
	[tilespmem:$0x1F6E0] =	vst v63  }
0xd1: {  	_ =	swait.ge [sflag:s19], $0x2780  }
0xd2: {  	[sflag:s19] =	ssyncset.done $0x0  }
0xd3: {  	s1 =	simm.s32 $0x0;
	[sflag:s19] =	ssyncadd.s32 $0xFFFFD880  }
0xd4: {  	s17 =	simm.s32 $0x4F00;
	s18 =	simm.s32 $0x5100;
	[bflag:$0x0] =	sbarrier.arrive $0xFFFF  }
.LBB2_6:
0xd5: {  	[tilespmem:s21], [sflag:$0x1] =	stream.indirect.gather [spmem:s3], $0x10, s17, s24, $0xb8;
	[tilespmem:$0x1F6E0] =	vst v63  }
0xd6: {  	_ = 	snop  }
0xd7: {  	[tilespmem:s23], [sflag:$0x2] =	stream.indirect.gather [spmem:s3], $0x10, s18, s24, $0xb8;
	[tilespmem:$0x1F6E0] =	vst v63  }
0xd8: {  	_ =	swait.ge [sflag:s5], $0x2000  }
0xd9: {  	[sflag:s5] =	ssyncset.done $0x0  }
0xda: {  	[sflag:s5] =	ssyncadd.s32 $0xFFFFE000  }
0xdb: {  	[spmem:s2] =	stream.indirect.scatter.add.f32 [tilespmem:s21], [sflag:$0x4], $0x10, s20, s24, $0xb8;
	[tilespmem:$0x1F6E0] =	vst v63  }
0xdc: {  	s4 =	simm.s32 $0x5300  }
0xdd: {  	[tilespmem:s7], [sflag:$0x3] =	stream.indirect.gather [spmem:s3], $0x10, s4, s24, $0xb8;
	[tilespmem:$0x1F6E0] =	vst v63  }
0xde: {  	_ =	swait.ge [sflag:s8], $0x2000  }
0xdf: {  	[sflag:s8] =	ssyncset.done $0x0  }
0xe0: {  	[sflag:s8] =	ssyncadd.s32 $0xFFFFE000  }
0xe1: {  	[spmem:s2] =	stream.indirect.scatter.add.f32 [tilespmem:s23], [sflag:$0x5], $0x10, s25, s24, $0xb8;
	[tilespmem:$0x1F6E0] =	vst v63  }
0xe2: {  	_ =	swait.ge [sflag:s28], $0x2000  }
0xe3: {  	[sflag:s28] =	ssyncset.done $0x0  }
0xe4: {  	s9 =	simm.s32 $0x5500;
	[sflag:s28] =	ssyncadd.s32 $0xFFFFE000  }
0xe5: {  	[tilespmem:s21], [sflag:$0x1] =	stream.indirect.gather [spmem:s3], $0x10, s9, s24, $0xb8;
	[tilespmem:$0x1F6E0] =	vst v63  }
0xe6: {  	_ =	swait.ge [sflag:s15], $0x2000  }
0xe7: {  	[sflag:s15] =	ssyncset.done $0x0  }
0xe8: {  	[sflag:s15] =	ssyncadd.s32 $0xFFFFE000  }
0xe9: {  	[spmem:s2] =	stream.indirect.scatter.add.f32 [tilespmem:s7], [sflag:$0x6], $0x10, s26, s24, $0xb8;
	[tilespmem:$0x1F6E0] =	vst v63  }
0xea: {  	_ =	swait.ge [sflag:s29], $0x2000  }
0xeb: {  	[sflag:s29] =	ssyncset.done $0x0  }
0xec: {  	s4 =	simm.s32 $0x0;
	[sflag:s29] =	ssyncadd.s32 $0xFFFFE000  }
0xed: {  	[tilespmem:s23], [sflag:$0x2] =	stream.indirect.gather [spmem:s3], $0x10, s16, s24, $0xb8;
	[tilespmem:$0x1F6E0] =	vst v63  }
.LBB2_7:
0xee: {  	_ =	swait.ge [sflag:s5], $0x2000  }
0xef: {  	s6 =	sshra.s32 s4, $0x2;
	[sflag:s5] =	ssyncset.done $0x0  }
0xf0: {  	s9 =	sadd.s32 $0xA500, s6;
	[sflag:s5] =	ssyncadd.s32 $0xFFFFE000  }
0xf1: {  	[spmem:s2] =	stream.indirect.scatter.add.f32 [tilespmem:s21], [sflag:$0x4], $0x10, s9, s24, $0xb8;
	[tilespmem:$0x1F6E0] =	vst v63  }
0xf2: {  	_ =	swait.ge [sflag:s30], $0x2000  }
0xf3: {  	[sflag:s30] =	ssyncset.done $0x0  }
0xf4: {  	s9 =	sadd.s32 $0x5900, s6;
	[sflag:s30] =	ssyncadd.s32 $0xFFFFE000  }
0xf5: {  	[tilespmem:s7], [sflag:$0x3] =	stream.indirect.gather [spmem:s3], $0x10, s9, s24, $0xb8;
	[tilespmem:$0x1F6E0] =	vst v63  }
0xf6: {  	_ =	swait.ge [sflag:s8], $0x2000  }
0xf7: {  	[sflag:s8] =	ssyncset.done $0x0  }
0xf8: {  	s9 =	sadd.s32 $0xA700, s6;
	[sflag:s8] =	ssyncadd.s32 $0xFFFFE000  }
0xf9: {  	[spmem:s2] =	stream.indirect.scatter.add.f32 [tilespmem:s23], [sflag:$0x5], $0x10, s9, s24, $0xb8;
	[tilespmem:$0x1F6E0] =	vst v63  }
0xfa: {  	_ =	swait.ge [sflag:s28], $0x2000  }
0xfb: {  	[sflag:s28] =	ssyncset.done $0x0  }
0xfc: {  	s9 =	sadd.s32 $0x5B00, s6;
	[sflag:s28] =	ssyncadd.s32 $0xFFFFE000  }
0xfd: {  	[tilespmem:s21], [sflag:$0x1] =	stream.indirect.gather [spmem:s3], $0x10, s9, s24, $0xb8;
	[tilespmem:$0x1F6E0] =	vst v63  }
0xfe: {  	_ =	swait.ge [sflag:s15], $0x2000  }
0xff: {  	p1 =	seq.s32 s4, $0x10800;
	[sflag:s15] =	ssyncset.done $0x0  }
.Ltmp2:
0x100: {  	s9 =	sadd.s32 $0xA900, s6;
	[sflag:s15] =	ssyncadd.s32 $0xFFFFE000;
	(pc) =	sbr.rel @p1 .LBB2_9-.Ltmp2, $4  }
0x101: {  	[spmem:s2] =	stream.indirect.scatter.add.f32 [tilespmem:s7], [sflag:$0x6], $0x10, s9, s24, $0xb8;
	[tilespmem:$0x1F6E0] =	vst v63  }
0x102: {  	_ =	swait.ge [sflag:s29], $0x2000  }
0x103: {  	[sflag:s29] =	ssyncset.done $0x0  }
0x104: {  	[sflag:s29] =	ssyncadd.s32 $0xFFFFE000  }
.Ltmp3:
0x105: {  	(pc) =	sbr.rel .LBB2_7-.Ltmp3, $3  }
0x106: {  	_ =	sdelay $0x1  }
0x107: {  	s6 =	sadd.s32 $0x5D00, s6;
	s4 =	sadd.s32 $0x1800, s4  }
0x108: {  	[tilespmem:s23], [sflag:$0x2] =	stream.indirect.gather [spmem:s3], $0x10, s6, s24, $0xb8;
	[tilespmem:$0x1F6E0] =	vst v63  }
.LBB2_9:
0x109: {  	_ =	swait.ge [sflag:s30], $0x2000  }
0x10a: {  	[sflag:s30] =	ssyncset.done $0x0  }
0x10b: {  	[sflag:s30] =	ssyncadd.s32 $0xFFFFE000  }
0x10c: {  	_ =	swait.ge [sflag:s5], $0x2000  }
0x10d: {  	[sflag:s5] =	ssyncset.done $0x0  }
0x10e: {  	[sflag:s5] =	ssyncadd.s32 $0xFFFFE000  }
0x10f: {  	[spmem:s2] =	stream.indirect.scatter.add.f32 [tilespmem:s21], [sflag:$0x7], $0x10, s31, s24, $0xb8;
	[tilespmem:$0x1F6E0] =	vst v63  }
0x110: {  	_ =	swait.ge [sflag:s19], $0x2000  }
0x111: {  	[sflag:s19] =	ssyncset.done $0x0  }
0x112: {  	[sflag:s19] =	ssyncadd.s32 $0xFFFFE000  }
0x113: {  	[bflag:$0x0] =	sbarrier.arrive $0xFFFF  }
0x114: {  	[tilespmem:s21], [sflag:$0x7] =	stream.linear.gather [spmem:s10], $0x2780, $0x38;
	[tilespmem:$0x1F6E0] =	vst v63  }
0x115: {  	_ =	swait.ge [sflag:s19], $0x2780  }
0x116: {  	[sflag:s19] =	ssyncset.done $0x0  }
0x117: {  	[sflag:s19] =	ssyncadd.s32 $0xFFFFD880  }
0x118: {  	[spmem:s10] =	stream.linear.scatter [tilespmem:s22], [sflag:$0x7], $0x9E0, $0x38;
	[tilespmem:$0x1F6E0] =	vst v63  }
0x119: {  	_ =	swait.ge [sflag:s19], $0x9E0  }
0x11a: {  	[sflag:s19] =	ssyncset.done $0x0  }
0x11b: {  	[sflag:s19] =	ssyncadd.s32 $0xFFFFF620  }
0x11c: {  	[spmem:s11] =	stream.linear.scatter [tilespmem:s22], [sflag:$0x7], $0x9E0, $0x38;
	[tilespmem:$0x1F6E0] =	vst v63  }
0x11d: {  	_ =	swait.ge [sflag:s19], $0x9E0  }
0x11e: {  	[sflag:s19] =	ssyncset.done $0x0  }
0x11f: {  	[sflag:s19] =	ssyncadd.s32 $0xFFFFF620  }
0x120: {  	[spmem:s12] =	stream.linear.scatter [tilespmem:s22], [sflag:$0x7], $0x9E0, $0x38;
	[tilespmem:$0x1F6E0] =	vst v63  }
0x121: {  	_ =	swait.ge [sflag:s19], $0x9E0  }
0x122: {  	[sflag:s19] =	ssyncset.done $0x0  }
0x123: {  	[sflag:s19] =	ssyncadd.s32 $0xFFFFF620  }
0x124: {  	[spmem:s13] =	stream.linear.scatter [tilespmem:s22], [sflag:$0x7], $0x9E0, $0x38;
	[tilespmem:$0x1F6E0] =	vst v63  }
0x125: {  	_ =	swait.ge [sflag:s19], $0x9E0  }
0x126: {  	[sflag:s19] =	ssyncset.done $0x0  }
0x127: {  	s4 =	simm.s32 $0x0;
	[sflag:s19] =	ssyncadd.s32 $0xFFFFF620  }
0x128: {  	s6 =	simm.s32 $0x40;
	v0 =	vld [tilespmem:s4+$0xEF00]  }
.LBB2_10:
0x129: {  	p1 =	sne.s32 s6, $0x9DC0;
	v1 =	vld [tilespmem:s4+$0x14F00];
	_ =	sdelay $0x1  }
0x12a: {  	v2 =	vld [tilespmem:s4+$0x19E00];
	_ =	sdelay $0x1  }
0x12b: {  	v3 =	vld [tilespmem:s4+$0x17680]  }
0x12c: {  	v0 =	vadd.f32 v1, v0;
	_ =	sdelay $0x1  }
.Ltmp4:
0x12d: {  	v0 =	vmul.f32 v0, v2;
	(pc) =	sbr.rel @p1 .LBB2_10-.Ltmp4, $4  }
0x12e: {  	_ = 	snop  }
0x12f: {  	v1 =	vadd.f32 v0, v3  }
0x130: {  	s9 =	sshra.s32 s6, $0x2  }
0x131: {  	s6 =	sadd.s32 $0x40, s6;
	v0 =	vld [tilespmem:s9+$0xEF00];
	[tilespmem:s4+$0x14F00] =	vst v1;
	s4 =	smov.u32 s9  }
0x132: {  	v1 =	vld [tilespmem:s4+$0x14F00];
	_ =	sdelay $0x1  }
0x133: {  	v2 =	vld [tilespmem:s4+$0x19E00];
	_ =	sdelay $0x1  }
0x134: {  	v3 =	vld [tilespmem:s4+$0x17680]  }
0x135: {  	v0 =	vadd.f32 v1, v0;
	_ =	sdelay $0x1  }
0x136: {  	v0 =	vmul.f32 v0, v2;
	_ =	sdelay $0x1  }
0x137: {  	v0 =	vadd.f32 v0, v3  }
0x138: {  	s1 =	sadd.s32 $0x1, s1  }
0x139: {  	p1 =	sne.s32 s1, $0xA;
	[tilespmem:s4+$0x14F00] =	vst v0  }
0x13a: {  	[spmem:s14] =	stream.linear.scatter [tilespmem:s0], [sflag:$0x7], $0x2780, $0x38;
	[tilespmem:$0x1F6E0] =	vst v63  }
.Ltmp5:
0x13b: {  	_ =	swait.ge [sflag:s19], $0x2780;
	(pc) =	sbr.rel @p1 .LBB2_6-.Ltmp5, $3  }
0x13c: {  	[sflag:s19] =	ssyncset.done $0x0  }
0x13d: {  	[sflag:s19] =	ssyncadd.s32 $0xFFFFD880  }
0x13e: {  	[bflag:$0x0] =	sbarrier.arrive $0xFFFF;
	_ =	sdelay $0x1  }
0x13f: {  	s1 =	simm.s32 $0x0  }
0x140: {  	s4 =	simm.s32 $0x40;
	v0 =	vld [tilespmem:s1+$0x1C580]  }
.LBB2_13:
0x141: {  	p1 =	sne.s32 s4, $0x9DC0;
	v1 =	vld [tilespmem:s1+$0x14F00];
	_ =	sdelay $0x2  }
.Ltmp6:
0x142: {  	(pc) =	sbr.rel @p1 .LBB2_13-.Ltmp6, $4  }
0x143: {  	_ = 	snop  }
0x144: {  	v1 =	vmul.f32 v1, v0  }
0x145: {  	s6 =	sshra.s32 s4, $0x2  }
0x146: {  	s4 =	sadd.s32 $0x40, s4;
	v0 =	vld [tilespmem:s6+$0x1C580];
	[tilespmem:s1+$0x14F00] =	vst v1;
	s1 =	smov.u32 s6  }
0x147: {  	v1 =	vld [tilespmem:s1+$0x14F00];
	_ =	sdelay $0x4  }
0x148: {  	v0 =	vmul.f32 v1, v0  }
0x149: {  	s4 =	simm.s32 @p0 $0x20  }
0x14a: {  	s6 =	simm.s32 @p0 $0x14F00;
	s9 =	rddreg [dreg:$0xb];
	[tilespmem:s1+$0x14F00] =	vst v0;
	s1 =	simm.s32 @p0 $0x10  }
0x14b: {  	[hbm4b:s9+s1] =	stream.strided.scatter @p0 [tilespmem:s6], [sflag:$0x7], $0x2080, s4, s1, $0x38;
	[tilespmem:$0x1F6E0] =	vst v63  }
0x14c: {  	s1 =	simm.s32 @p0 $0x7  }
0x14d: {  	_ =	swait.ge @p0 [sflag:s1], $0x2080  }
0x14e: {  	s4 =	simm.s32 @!p0 $0x20;
	s6 =	simm.s32 @!p0 $0x14F00;
	[sflag:s1] =	ssyncset.done @p0 $0x0  }
0x14f: {  	s9 =	rddreg [dreg:$0xa];
	[sflag:s1] =	ssyncadd.s32 @p0 $0xFFFFDF80;
	s1 =	simm.s32 @!p0 $0x10  }
0x150: {  	[hbm4b:s9+s1] =	stream.strided.scatter @!p0 [tilespmem:s6], [sflag:$0x7], $0x2780, s4, s1, $0x38;
	[tilespmem:$0x1F6E0] =	vst v63  }
0x151: {  	s1 =	simm.s32 @!p0 $0x7  }
0x152: {  	_ =	swait.ge @!p0 [sflag:s1], $0x2780  }
0x153: {  	s9 =	rddreg [dreg:$0xd]  }
0x154: {  	s18 =	rddreg [dreg:$0xc];
	s6 =	sadd.s32 $0x1, s9  }
0x155: {  	p1 =	sne.s32 s6, s18  }
.Ltmp7:
0x156: {  	_ = 	snop;
	(pc) =	sbr.rel @p1 .LBB2_1-.Ltmp7, $3  }
0x157: {  	_ =	sdelay $0x1  }
0x158: {  	[sflag:s1] =	ssyncset.done @!p0 $0x0  }
0x159: {  	[sflag:s1] =	ssyncadd.s32 @!p0 $0xFFFFD880  }
0x15a: {  	_ =	sfence.sel $0x180000  }
0x15b: {  	[bflag:$0x0] =	sbarrier.arrive $0xFFFF  }
0x15c: {  	_ =	strace $0x90000047  }
0x15d: {  	s0 =	stileid.u32;
	[bflag:$0x2] =	sbarrier.arrive $0xFFFF  }
0x15e: {  	p0 =	sne.s32 s0, $0x0;
	s0 =	rddreg [dreg:$0x4]  }
0x15f: {  	s0 =	sadd.s32 @!p0 $0x100000, s0  }
0x160: {  	[sflag:s0] =	ssyncadd.tile.s32 @!p0 $0x1;
	_ =	shalt  }
.Lfunc_end2:
_tile_overlayer_lowered:
.L_overlay_start_2:
0x161: {  	(tag) =	ssettag $0x2  }
0x162: {  	s0 =	rddreg [dreg:$0x0];
	s2 =	stileid.u32  }
0x163: {  	s1 =	rddreg [dreg:$0x1];
	p0 =	sne.s32 s2, $0x0  }
0x164: {  	s3 =	rddreg [dreg:$0x2];
	[bflag:$0x3] =	sbarrier.arrive $0xFFFF;
	s2 =	simm.s32 @!p0 $0x1C07  }
0x165: {  	[timem:s3], [sflag:s2] =	dma.local @!p0 [hbm:s0], s1  }
0x166: {  	s0 =	simm.s32 @!p0 $0x7  }
0x167: {  	_ =	swait.ge @!p0 [sflag:s0], s1  }
0x168: {  	s1 =	ssub.s32 @!p0 $0x0, s1;
	[sflag:s0] =	ssyncset.done @!p0 $0x0  }
0x169: {  	[sflag:s0] =	ssyncadd.s32 @!p0 s1  }
0x16a: {  	[bflag:$0x3] =	sbarrier.arrive $0xFFFF  }
0x16b: {  	_ =	shalt  }

</sc_bundles>
